<compile_context>
chip_gen: v7x
topology: tpu7x:2x2x1
jax: 0.10.2.dev20260603
libtpu: 0.0.44.dev20260713+nightly
codegen_flags: <defaults>
</compile_context>

<pallas_src>
import functools

import jax
import jax.numpy as jnp
from jax import lax
from jax.experimental import pallas as pl
from jax.experimental.pallas import tpu as pltpu
from jax.experimental.pallas import tpu_sc as plsc

_ENTITY_NUM = 100000
_DIM = 64
_MARGIN = 1.0
_BATCH = 16384

_NC = 2
_NS = 16
_NW = _NC * _NS
_NPASS = _DIM // _NW
_CI = 2048
_NCH = _BATCH // _CI
_UNROLL = 8


def _sc_partials(cur_t, cor_t, ent_t, rel_t):
    mesh = plsc.VectorSubcoreMesh(core_axis_name="c", subcore_axis_name="s")

    @functools.partial(
        pl.kernel,
        mesh=mesh,
        out_type=(
            jax.ShapeDtypeStruct((2, _DIM, 128), jnp.float32),
            jax.ShapeDtypeStruct((_NW, 2, _BATCH), jnp.float32),
        ),
        scratch_types=[
            pltpu.VMEM((1, _ENTITY_NUM), jnp.float32),
            pltpu.VMEM((2, 2, _CI), jnp.float32),
            pltpu.VMEM((2, 4, _CI), jnp.int32),
            pltpu.VMEM((2, 1, 128), jnp.float32),
            pltpu.SemaphoreType.DMA,
            pltpu.SemaphoreType.DMA,
            pltpu.SemaphoreType.DMA,
        ],
        compiler_params=pltpu.CompilerParams(
            use_tc_tiling_on_sc=True, needs_layout_passes=False),
    )
    def body(cur_hbm, cor_hbm, ent_hbm, rel_hbm, out_hbm, sp_hbm,
             row_v, vbuf, idxb, accv, sem, sps0, sps1):
        wid = lax.axis_index("s") * _NC + lax.axis_index("c")
        z16 = jnp.zeros((16,), jnp.int32)

        def idx_pairs(cols, c):
            ds = pl.ds(c * _CI, _CI)
            buf = lax.rem(c, 2)
            return [(src.at[pl.ds(col, 1), ds], idxb.at[buf, pl.ds(j, 1)])
                    for j, (src, col) in enumerate(cols)]

        def start_idx(cols, c):
            for s, t in idx_pairs(cols, c):
                pltpu.async_copy(s, t, sem)

        def wait_idx(cols, c):
            for s, t in idx_pairs(cols, c):
                pltpu.make_async_copy(s, t, sem).wait()

        def spill_pair(c):
            buf = lax.rem(c, 2)
            return (vbuf.at[pl.ds(buf, 1)],
                    sp_hbm.at[pl.ds(wid, 1), pl.ds(0, 2), pl.ds(c * _CI, _CI)])

        def on_spill_sem(c, fn):
            v, h = spill_pair(c)

            @pl.when(lax.rem(c, 2) == 0)
            def _():
                fn(v, h, sps0)

            @pl.when(lax.rem(c, 2) == 1)
            def _():
                fn(v, h, sps1)

        ecols = [(cur_hbm, 0), (cur_hbm, 2), (cor_hbm, 0), (cor_hbm, 2)]
        rcols = [(cur_hbm, 1), (cor_hbm, 1)]

        def pass_body(p, _):
            d = wid + _NW * p

            start_idx(ecols, 0)
            pltpu.sync_copy(ent_hbm.at[pl.ds(d, 1)], row_v)

            def e_chunk(c, _):
                wait_idx(ecols, c)

                @pl.when(c + 1 < _NCH)
                def _():
                    start_idx(ecols, c + 1)

                @pl.when(c >= 2)
                def _():
                    on_spill_sem(c - 2,
                                 lambda v, h, s:
                                 pltpu.make_async_copy(v, h, s).wait())

                buf = lax.rem(c, 2)

                @plsc.parallel_loop(0, _CI // 16, unroll=_UNROLL)
                def _(i):
                    off = i * 16
                    for l in range(2):
                        hi = idxb[buf, 2 * l, pl.ds(off, 16)]
                        ti = idxb[buf, 2 * l + 1, pl.ds(off, 16)]
                        gh = plsc.load_gather(row_v, [z16, hi])
                        gt = plsc.load_gather(row_v, [z16, ti])
                        vbuf[buf, l, pl.ds(off, 16)] = gh - gt

                on_spill_sem(c, lambda v, h, s: pltpu.async_copy(v, h, s))
                return 0

            lax.fori_loop(0, _NCH, e_chunk, 0)
            for cc in (_NCH - 2, _NCH - 1):
                on_spill_sem(cc,
                             lambda v, h, s:
                             pltpu.make_async_copy(v, h, s).wait())

            start_idx(rcols, 0)
            for cc in (0, 1):
                on_spill_sem(cc, lambda v, h, s: pltpu.async_copy(h, v, s))
            pltpu.sync_copy(rel_hbm.at[pl.ds(d, 1)], row_v)

            def r_chunk(c, accs):
                wait_idx(rcols, c)

                @pl.when(c + 1 < _NCH)
                def _():
                    start_idx(rcols, c + 1)

                on_spill_sem(c,
                             lambda v, h, s:
                             pltpu.make_async_copy(h, v, s).wait())
                buf = lax.rem(c, 2)

                def rb(i, carry):
                    a0, a1 = carry
                    off = i * 16
                    ri = idxb[buf, 0, pl.ds(off, 16)]
                    rci = idxb[buf, 1, pl.ds(off, 16)]
                    v0 = vbuf[buf, 0, pl.ds(off, 16)] \
                        + plsc.load_gather(row_v, [z16, ri])
                    v1 = vbuf[buf, 1, pl.ds(off, 16)] \
                        + plsc.load_gather(row_v, [z16, rci])
                    return (a0 + v0 * v0, a1 + v1 * v1)

                accs = plsc.parallel_loop(
                    0, _CI // 16, unroll=_UNROLL, carry=accs)(rb)

                @pl.when(c + 2 < _NCH)
                def _():
                    on_spill_sem(c + 2,
                                 lambda v, h, s: pltpu.async_copy(h, v, s))

                return accs

            accs = lax.fori_loop(
                0, _NCH, r_chunk,
                (jnp.zeros((16,), jnp.float32), jnp.zeros((16,), jnp.float32)))
            for l in range(2):
                accv[l, 0, pl.ds(0, 16)] = accs[l]
                pltpu.sync_copy(accv.at[pl.ds(l, 1)],
                                out_hbm.at[pl.ds(l, 1), pl.ds(d, 1)])
            return 0

        lax.fori_loop(0, _NPASS, pass_body, 0)

    return body(cur_t, cor_t, ent_t, rel_t)[0]


def _finish(partials):

    def body(p_ref, o_ref):
        p = p_ref[:, :, 0:16]
        s = jnp.sum(p, axis=2)
        dist = jnp.sqrt(s)
        m = jnp.maximum(dist[0:1] - dist[1:2] + _MARGIN, 0.0)
        o_ref[...] = jnp.sum(m, axis=1, keepdims=True) * (1.0 / _DIM)

    return pl.pallas_call(
        body,
        out_shape=jax.ShapeDtypeStruct((1, 1), jnp.float32),
    )(partials)


@jax.jit
def kernel(current_list, corrupt_list, ent_emb, rel_emb):
    partials = _sc_partials(
        current_list.T, corrupt_list.T, ent_emb.T, rel_emb.T)
    loss = _finish(partials)
    return loss[0, 0]

# --- scband reference (transcript-rebuilt; emitter-appended) ---
"""Pipeline reference for scband-trans-e-54975581389204 (READ-ONLY COPY).

The authoritative reference and input builder live on the scoring server;
editing this copy changes nothing except your own understanding.
"""

import jax, jax.numpy as jnp
import numpy as np

ENTITY_NUM = 100000
DIM = 64
MARGIN = 1.0
BATCH = 16384


def _row_normalize(w):
    norm = jnp.sqrt(jnp.sum(jnp.square(w), axis=1)).reshape(-1, 1)
    return w / norm


def setup_inputs(seed: int = 0) -> dict:
    key = jax.random.key(seed)
    k1, k2, k3, k4 = jax.random.split(key, 4)
    current_list = jax.random.randint(k1, (BATCH, 3), 0, ENTITY_NUM, dtype=jnp.int32)
    corrupt_list = jax.random.randint(k2, (BATCH, 3), 0, ENTITY_NUM, dtype=jnp.int32)
    # Learned parameters: note the original module (faithfully reproduced) sizes the
    # relation table with entity_num as well. Both tables are row-normalized in __init__.
    ent_emb = _row_normalize(jax.random.normal(k3, (ENTITY_NUM, DIM), dtype=jnp.float32))
    rel_emb = _row_normalize(jax.random.normal(k4, (ENTITY_NUM, DIM), dtype=jnp.float32))
    return {"current_list": current_list, "corrupt_list": corrupt_list,
            "ent_emb": ent_emb, "rel_emb": rel_emb}


def _dist(h, r, t):
    # norm == 2 branch of TransE.dist: (h + r - t).square().sum(axis=1).sqrt()
    return jnp.sqrt(jnp.sum(jnp.square(h + r - t), axis=1))


def reference(current_list, corrupt_list, ent_emb, rel_emb):
    # torch.tensor(current_list).T.chunk(3) -> three tensors of shape [1, B]
    cur = current_list.T
    h, r, t = cur[0:1], cur[1:2], cur[2:3]
    h_ = jnp.take(ent_emb, h, axis=0)  # [1, B, DIM]
    r_ = jnp.take(rel_emb, r, axis=0)
    t_ = jnp.take(ent_emb, t, axis=0)
    cor = corrupt_list.T
    hc, rc, tc = cor[0:1], cor[1:2], cor[2:3]
    hc_ = jnp.take(ent_emb, hc, axis=0)
    rc_ = jnp.take(rel_emb, rc, axis=0)
    tc_ = jnp.take(ent_emb, tc, axis=0)
    d_pos = _dist(h_, r_, t_)  # sum over axis=1 (the B axis) -> [1, DIM]
    d_neg = _dist(hc_, rc_, tc_)
    # MarginRankingLoss with target=-1, reduction='mean':
    # mean(max(0, -target*(x1 - x2) + margin)) = mean(max(0, (x1 - x2) + margin))
    target = jnp.float32(-1.0)
    loss = jnp.mean(jnp.maximum(0.0, -target * (d_pos - d_neg) + MARGIN))
    return loss

if __name__ == "__main__":
    import jax
    _d = setup_inputs()
    print(jax.jit(kernel)(*tuple(_d.values())))

</pallas_src>

<mosaic_0001>
#map = affine_map<(d0, d1) -> (0, 0)>
#map1 = affine_map<(d0, d1) -> (0, 0, 0)>
module attributes {stable_mosaic.version = 14 : i64} {
  func.func @body(%arg0: i32, %arg1: i32, %arg2: memref<3x16384xi32, #tpu.memory_space<hbm>>, %arg3: memref<3x16384xi32, #tpu.memory_space<hbm>>, %arg4: memref<64x100000xf32, #tpu.memory_space<hbm>>, %arg5: memref<64x100000xf32, #tpu.memory_space<hbm>>, %arg6: memref<2x64x128xf32, #tpu.memory_space<hbm>>, %arg7: memref<32x2x16384xf32, #tpu.memory_space<hbm>>, %arg8: memref<1x100000xf32, #tpu.memory_space<vmem>>, %arg9: memref<2x2x2048xf32, #tpu.memory_space<vmem>>, %arg10: memref<2x4x2048xi32, #tpu.memory_space<vmem>>, %arg11: memref<2x1x128xf32, #tpu.memory_space<vmem>>, %arg12: memref<!tpu.dma_semaphore, #tpu.memory_space<semaphore_mem>>, %arg13: memref<!tpu.dma_semaphore, #tpu.memory_space<semaphore_mem>>, %arg14: memref<!tpu.dma_semaphore, #tpu.memory_space<semaphore_mem>>) attributes {dimension_semantics = [#tpu.dimension_semantics<core_parallel>, #tpu.dimension_semantics<subcore_parallel>], iteration_bounds = array<i64: 2, 16>, scalar_prefetch = 0 : i64, scratch_operands = 7 : i64, tpu.core_type = #tpu.core_type<sc_vector_subcore>, window_params = [{transform_indices = #map}, {transform_indices = #map}, {transform_indices = #map}, {transform_indices = #map}, {transform_indices = #map1}, {transform_indices = #map1}]} {
    %mul3A = arith.constant 2 : i32
    %mul3A_0 = arith.muli %arg1, %mul3A : i32
    %add3A = arith.addi %mul3A_0, %arg0 : i32
    %broadcast_in_dim3A = arith.constant 0 : i32
    %broadcast_in_dim3A_1 = vector.broadcast %broadcast_in_dim3A : i32 to vector<16xi32>
    %scan3A = arith.constant 0 : i32
    %scan3A_2 = arith.constant 0 : i32
    %scan3A_3 = arith.constant 2 : i32
    %scan3A_4 = arith.addi %scan3A_2, %scan3A_3 : i32
    %scan3A_5 = arith.constant 1 : i32
    %scan3A_6 = scf.for %scan3A_8 = %scan3A_2 to %scan3A_4 step %scan3A_5 iter_args(%scan3A_9 = %scan3A) -> (i32)  : i32 {
      %mul3A_10 = arith.constant 32 : i32
      %mul3A_11 = arith.muli %mul3A_10, %scan3A_8 : i32
      %add3A_12 = arith.addi %add3A, %mul3A_11 : i32
      %rem3A = arith.constant 0 : i32
      %rem3A_13 = arith.constant 2 : i32
      %rem3A_14 = arith.remsi %rem3A, %rem3A_13 : i32
      %dma_start3A = arith.constant 0 : i32
      %dma_start3A_15 = arith.constant 0 : i32
      %dma_start3A_16 = tpu.memref_slice %arg10[%rem3A_14, %dma_start3A, %dma_start3A_15] : memref<2x4x2048xi32, #tpu.memory_space<vmem>> -> memref<1x1x2048xi32, #tpu.memory_space<vmem>>
      %dma_start3A_17 = tpu.memref_squeeze %dma_start3A_16 : memref<1x1x2048xi32, #tpu.memory_space<vmem>> -> memref<1x2048xi32, #tpu.memory_space<vmem>>
      %dma_start3A_18 = arith.constant 0 : i32
      %dma_start3A_19 = arith.constant 0 : i32
      %dma_start3A_20 = tpu.memref_slice %arg2[%dma_start3A_18, %dma_start3A_19] : memref<3x16384xi32, #tpu.memory_space<hbm>> -> memref<1x2048xi32, #tpu.memory_space<hbm>>
      %dma_start3A_21 = arith.constant 0 : i32
      %dma_start3A_22 = arith.constant 0 : i32
      %dma_start3A_23 = tpu.memref_slice %arg10[%rem3A_14, %dma_start3A_21, %dma_start3A_22] : memref<2x4x2048xi32, #tpu.memory_space<vmem>> -> memref<1x1x2048xi32, #tpu.memory_space<vmem>>
      %dma_start3A_24 = tpu.memref_squeeze %dma_start3A_23 : memref<1x1x2048xi32, #tpu.memory_space<vmem>> -> memref<1x2048xi32, #tpu.memory_space<vmem>>
      %dma_start3A_25 = arith.constant 0 : i32
      %dma_start3A_26 = arith.constant 0 : i32
      %dma_start3A_27 = tpu.memref_slice %arg2[%dma_start3A_25, %dma_start3A_26] : memref<3x16384xi32, #tpu.memory_space<hbm>> -> memref<1x2048xi32, #tpu.memory_space<hbm>>
      tpu.enqueue_dma source(%dma_start3A_27 : memref<1x2048xi32, #tpu.memory_space<hbm>>) target(%dma_start3A_24 : memref<1x2048xi32, #tpu.memory_space<vmem>>) target_semaphore(%arg12 : memref<!tpu.dma_semaphore, #tpu.memory_space<semaphore_mem>>)
      %dma_start3A_28 = arith.constant 1 : i32
      %dma_start3A_29 = arith.constant 0 : i32
      %dma_start3A_30 = tpu.memref_slice %arg10[%rem3A_14, %dma_start3A_28, %dma_start3A_29] : memref<2x4x2048xi32, #tpu.memory_space<vmem>> -> memref<1x1x2048xi32, #tpu.memory_space<vmem>>
      %dma_start3A_31 = tpu.memref_squeeze %dma_start3A_30 : memref<1x1x2048xi32, #tpu.memory_space<vmem>> -> memref<1x2048xi32, #tpu.memory_space<vmem>>
      %dma_start3A_32 = arith.constant 2 : i32
      %dma_start3A_33 = arith.constant 0 : i32
      %dma_start3A_34 = tpu.memref_slice %arg2[%dma_start3A_32, %dma_start3A_33] : memref<3x16384xi32, #tpu.memory_space<hbm>> -> memref<1x2048xi32, #tpu.memory_space<hbm>>
      %dma_start3A_35 = arith.constant 1 : i32
      %dma_start3A_36 = arith.constant 0 : i32
      %dma_start3A_37 = tpu.memref_slice %arg10[%rem3A_14, %dma_start3A_35, %dma_start3A_36] : memref<2x4x2048xi32, #tpu.memory_space<vmem>> -> memref<1x1x2048xi32, #tpu.memory_space<vmem>>
      %dma_start3A_38 = tpu.memref_squeeze %dma_start3A_37 : memref<1x1x2048xi32, #tpu.memory_space<vmem>> -> memref<1x2048xi32, #tpu.memory_space<vmem>>
      %dma_start3A_39 = arith.constant 2 : i32
      %dma_start3A_40 = arith.constant 0 : i32
      %dma_start3A_41 = tpu.memref_slice %arg2[%dma_start3A_39, %dma_start3A_40] : memref<3x16384xi32, #tpu.memory_space<hbm>> -> memref<1x2048xi32, #tpu.memory_space<hbm>>
      tpu.enqueue_dma source(%dma_start3A_41 : memref<1x2048xi32, #tpu.memory_space<hbm>>) target(%dma_start3A_38 : memref<1x2048xi32, #tpu.memory_space<vmem>>) target_semaphore(%arg12 : memref<!tpu.dma_semaphore, #tpu.memory_space<semaphore_mem>>)
      %dma_start3A_42 = arith.constant 2 : i32
      %dma_start3A_43 = arith.constant 0 : i32
      %dma_start3A_44 = tpu.memref_slice %arg10[%rem3A_14, %dma_start3A_42, %dma_start3A_43] : memref<2x4x2048xi32, #tpu.memory_space<vmem>> -> memref<1x1x2048xi32, #tpu.memory_space<vmem>>
      %dma_start3A_45 = tpu.memref_squeeze %dma_start3A_44 : memref<1x1x2048xi32, #tpu.memory_space<vmem>> -> memref<1x2048xi32, #tpu.memory_space<vmem>>
      %dma_start3A_46 = arith.constant 0 : i32
      %dma_start3A_47 = arith.constant 0 : i32
      %dma_start3A_48 = tpu.memref_slice %arg3[%dma_start3A_46, %dma_start3A_47] : memref<3x16384xi32, #tpu.memory_space<hbm>> -> memref<1x2048xi32, #tpu.memory_space<hbm>>
      %dma_start3A_49 = arith.constant 2 : i32
      %dma_start3A_50 = arith.constant 0 : i32
      %dma_start3A_51 = tpu.memref_slice %arg10[%rem3A_14, %dma_start3A_49, %dma_start3A_50] : memref<2x4x2048xi32, #tpu.memory_space<vmem>> -> memref<1x1x2048xi32, #tpu.memory_space<vmem>>
      %dma_start3A_52 = tpu.memref_squeeze %dma_start3A_51 : memref<1x1x2048xi32, #tpu.memory_space<vmem>> -> memref<1x2048xi32, #tpu.memory_space<vmem>>
      %dma_start3A_53 = arith.constant 0 : i32
      %dma_start3A_54 = arith.constant 0 : i32
      %dma_start3A_55 = tpu.memref_slice %arg3[%dma_start3A_53, %dma_start3A_54] : memref<3x16384xi32, #tpu.memory_space<hbm>> -> memref<1x2048xi32, #tpu.memory_space<hbm>>
      tpu.enqueue_dma source(%dma_start3A_55 : memref<1x2048xi32, #tpu.memory_space<hbm>>) target(%dma_start3A_52 : memref<1x2048xi32, #tpu.memory_space<vmem>>) target_semaphore(%arg12 : memref<!tpu.dma_semaphore, #tpu.memory_space<semaphore_mem>>)
      %dma_start3A_56 = arith.constant 3 : i32
      %dma_start3A_57 = arith.constant 0 : i32
      %dma_start3A_58 = tpu.memref_slice %arg10[%rem3A_14, %dma_start3A_56, %dma_start3A_57] : memref<2x4x2048xi32, #tpu.memory_space<vmem>> -> memref<1x1x2048xi32, #tpu.memory_space<vmem>>
      %dma_start3A_59 = tpu.memref_squeeze %dma_start3A_58 : memref<1x1x2048xi32, #tpu.memory_space<vmem>> -> memref<1x2048xi32, #tpu.memory_space<vmem>>
      %dma_start3A_60 = arith.constant 2 : i32
      %dma_start3A_61 = arith.constant 0 : i32
      %dma_start3A_62 = tpu.memref_slice %arg3[%dma_start3A_60, %dma_start3A_61] : memref<3x16384xi32, #tpu.memory_space<hbm>> -> memref<1x2048xi32, #tpu.memory_space<hbm>>
      %dma_start3A_63 = arith.constant 3 : i32
      %dma_start3A_64 = arith.constant 0 : i32
      %dma_start3A_65 = tpu.memref_slice %arg10[%rem3A_14, %dma_start3A_63, %dma_start3A_64] : memref<2x4x2048xi32, #tpu.memory_space<vmem>> -> memref<1x1x2048xi32, #tpu.memory_space<vmem>>
      %dma_start3A_66 = tpu.memref_squeeze %dma_start3A_65 : memref<1x1x2048xi32, #tpu.memory_space<vmem>> -> memref<1x2048xi32, #tpu.memory_space<vmem>>
      %dma_start3A_67 = arith.constant 2 : i32
      %dma_start3A_68 = arith.constant 0 : i32
      %dma_start3A_69 = tpu.memref_slice %arg3[%dma_start3A_67, %dma_start3A_68] : memref<3x16384xi32, #tpu.memory_space<hbm>> -> memref<1x2048xi32, #tpu.memory_space<hbm>>
      tpu.enqueue_dma source(%dma_start3A_69 : memref<1x2048xi32, #tpu.memory_space<hbm>>) target(%dma_start3A_66 : memref<1x2048xi32, #tpu.memory_space<vmem>>) target_semaphore(%arg12 : memref<!tpu.dma_semaphore, #tpu.memory_space<semaphore_mem>>)
      "tpu.region"() ({
        %run_scoped3A = tpu.sem_alloc : memref<!tpu.dma_semaphore, #tpu.memory_space<semaphore_mem>>
        %dma_start3A_203 = arith.constant 0 : i32
        %dma_start3A_204 = tpu.memref_slice %arg4[%add3A_12, %dma_start3A_203] : memref<64x100000xf32, #tpu.memory_space<hbm>> -> memref<1x100000xf32, #tpu.memory_space<hbm>>
        %dma_start3A_205 = arith.constant 0 : i32
        %dma_start3A_206 = tpu.memref_slice %arg4[%add3A_12, %dma_start3A_205] : memref<64x100000xf32, #tpu.memory_space<hbm>> -> memref<1x100000xf32, #tpu.memory_space<hbm>>
        tpu.enqueue_dma source(%dma_start3A_206 : memref<1x100000xf32, #tpu.memory_space<hbm>>) target(%arg8 : memref<1x100000xf32, #tpu.memory_space<vmem>>) target_semaphore(%run_scoped3A : memref<!tpu.dma_semaphore, #tpu.memory_space<semaphore_mem>>)
        %dma_wait3A = arith.constant 0 : i32
        %dma_wait3A_207 = tpu.memref_slice %arg4[%add3A_12, %dma_wait3A] : memref<64x100000xf32, #tpu.memory_space<hbm>> -> memref<1x100000xf32, #tpu.memory_space<hbm>>
        %dma_wait3A_208 = arith.constant 0 : i32
        %dma_wait3A_209 = tpu.memref_slice %arg4[%add3A_12, %dma_wait3A_208] : memref<64x100000xf32, #tpu.memory_space<hbm>> -> memref<1x100000xf32, #tpu.memory_space<hbm>>
        tpu.wait_dma2 semaphore(%run_scoped3A : memref<!tpu.dma_semaphore, #tpu.memory_space<semaphore_mem>>) src(%dma_wait3A_209 : memref<1x100000xf32, #tpu.memory_space<hbm>>) dst(%arg8 : memref<1x100000xf32, #tpu.memory_space<vmem>>)
        tpu.yield
      }) : () -> ()
      %scan3A_70 = arith.constant 0 : i32
      %scan3A_71 = arith.constant 0 : i32
      %scan3A_72 = arith.constant 8 : i32
      %scan3A_73 = arith.addi %scan3A_71, %scan3A_72 : i32
      %scan3A_74 = arith.constant 1 : i32
      %scan3A_75 = scf.for %scan3A_203 = %scan3A_71 to %scan3A_73 step %scan3A_74 iter_args(%scan3A_204 = %scan3A_70) -> (i32)  : i32 {
        %mul3A_205 = arith.constant 2048 : i32
        %mul3A_206 = arith.muli %scan3A_203, %mul3A_205 : i32
        %rem3A_207 = arith.constant 2 : i32
        %rem3A_208 = arith.remsi %scan3A_203, %rem3A_207 : i32
        %dma_wait3A = arith.constant 0 : i32
        %dma_wait3A_209 = arith.constant 0 : i32
        %dma_wait3A_210 = tpu.memref_slice %arg10[%rem3A_208, %dma_wait3A, %dma_wait3A_209] : memref<2x4x2048xi32, #tpu.memory_space<vmem>> -> memref<1x1x2048xi32, #tpu.memory_space<vmem>>
        %dma_wait3A_211 = tpu.memref_squeeze %dma_wait3A_210 : memref<1x1x2048xi32, #tpu.memory_space<vmem>> -> memref<1x2048xi32, #tpu.memory_space<vmem>>
        %dma_wait3A_212 = arith.constant 0 : i32
        %dma_wait3A_213 = tpu.memref_slice %arg2[%dma_wait3A_212, %mul3A_206] : memref<3x16384xi32, #tpu.memory_space<hbm>> -> memref<1x2048xi32, #tpu.memory_space<hbm>>
        %dma_wait3A_214 = arith.constant 0 : i32
        %dma_wait3A_215 = arith.constant 0 : i32
        %dma_wait3A_216 = tpu.memref_slice %arg10[%rem3A_208, %dma_wait3A_214, %dma_wait3A_215] : memref<2x4x2048xi32, #tpu.memory_space<vmem>> -> memref<1x1x2048xi32, #tpu.memory_space<vmem>>
        %dma_wait3A_217 = tpu.memref_squeeze %dma_wait3A_216 : memref<1x1x2048xi32, #tpu.memory_space<vmem>> -> memref<1x2048xi32, #tpu.memory_space<vmem>>
        %dma_wait3A_218 = arith.constant 0 : i32
        %dma_wait3A_219 = tpu.memref_slice %arg2[%dma_wait3A_218, %mul3A_206] : memref<3x16384xi32, #tpu.memory_space<hbm>> -> memref<1x2048xi32, #tpu.memory_space<hbm>>
        tpu.wait_dma2 semaphore(%arg12 : memref<!tpu.dma_semaphore, #tpu.memory_space<semaphore_mem>>) src(%dma_wait3A_219 : memref<1x2048xi32, #tpu.memory_space<hbm>>) dst(%dma_wait3A_217 : memref<1x2048xi32, #tpu.memory_space<vmem>>)
        %dma_wait3A_220 = arith.constant 1 : i32
        %dma_wait3A_221 = arith.constant 0 : i32
        %dma_wait3A_222 = tpu.memref_slice %arg10[%rem3A_208, %dma_wait3A_220, %dma_wait3A_221] : memref<2x4x2048xi32, #tpu.memory_space<vmem>> -> memref<1x1x2048xi32, #tpu.memory_space<vmem>>
        %dma_wait3A_223 = tpu.memref_squeeze %dma_wait3A_222 : memref<1x1x2048xi32, #tpu.memory_space<vmem>> -> memref<1x2048xi32, #tpu.memory_space<vmem>>
        %dma_wait3A_224 = arith.constant 2 : i32
        %dma_wait3A_225 = tpu.memref_slice %arg2[%dma_wait3A_224, %mul3A_206] : memref<3x16384xi32, #tpu.memory_space<hbm>> -> memref<1x2048xi32, #tpu.memory_space<hbm>>
        %dma_wait3A_226 = arith.constant 1 : i32
        %dma_wait3A_227 = arith.constant 0 : i32
        %dma_wait3A_228 = tpu.memref_slice %arg10[%rem3A_208, %dma_wait3A_226, %dma_wait3A_227] : memref<2x4x2048xi32, #tpu.memory_space<vmem>> -> memref<1x1x2048xi32, #tpu.memory_space<vmem>>
        %dma_wait3A_229 = tpu.memref_squeeze %dma_wait3A_228 : memref<1x1x2048xi32, #tpu.memory_space<vmem>> -> memref<1x2048xi32, #tpu.memory_space<vmem>>
        %dma_wait3A_230 = arith.constant 2 : i32
        %dma_wait3A_231 = tpu.memref_slice %arg2[%dma_wait3A_230, %mul3A_206] : memref<3x16384xi32, #tpu.memory_space<hbm>> -> memref<1x2048xi32, #tpu.memory_space<hbm>>
        tpu.wait_dma2 semaphore(%arg12 : memref<!tpu.dma_semaphore, #tpu.memory_space<semaphore_mem>>) src(%dma_wait3A_231 : memref<1x2048xi32, #tpu.memory_space<hbm>>) dst(%dma_wait3A_229 : memref<1x2048xi32, #tpu.memory_space<vmem>>)
        %dma_wait3A_232 = arith.constant 2 : i32
        %dma_wait3A_233 = arith.constant 0 : i32
        %dma_wait3A_234 = tpu.memref_slice %arg10[%rem3A_208, %dma_wait3A_232, %dma_wait3A_233] : memref<2x4x2048xi32, #tpu.memory_space<vmem>> -> memref<1x1x2048xi32, #tpu.memory_space<vmem>>
        %dma_wait3A_235 = tpu.memref_squeeze %dma_wait3A_234 : memref<1x1x2048xi32, #tpu.memory_space<vmem>> -> memref<1x2048xi32, #tpu.memory_space<vmem>>
        %dma_wait3A_236 = arith.constant 0 : i32
        %dma_wait3A_237 = tpu.memref_slice %arg3[%dma_wait3A_236, %mul3A_206] : memref<3x16384xi32, #tpu.memory_space<hbm>> -> memref<1x2048xi32, #tpu.memory_space<hbm>>
        %dma_wait3A_238 = arith.constant 2 : i32
        %dma_wait3A_239 = arith.constant 0 : i32
        %dma_wait3A_240 = tpu.memref_slice %arg10[%rem3A_208, %dma_wait3A_238, %dma_wait3A_239] : memref<2x4x2048xi32, #tpu.memory_space<vmem>> -> memref<1x1x2048xi32, #tpu.memory_space<vmem>>
        %dma_wait3A_241 = tpu.memref_squeeze %dma_wait3A_240 : memref<1x1x2048xi32, #tpu.memory_space<vmem>> -> memref<1x2048xi32, #tpu.memory_space<vmem>>
        %dma_wait3A_242 = arith.constant 0 : i32
        %dma_wait3A_243 = tpu.memref_slice %arg3[%dma_wait3A_242, %mul3A_206] : memref<3x16384xi32, #tpu.memory_space<hbm>> -> memref<1x2048xi32, #tpu.memory_space<hbm>>
        tpu.wait_dma2 semaphore(%arg12 : memref<!tpu.dma_semaphore, #tpu.memory_space<semaphore_mem>>) src(%dma_wait3A_243 : memref<1x2048xi32, #tpu.memory_space<hbm>>) dst(%dma_wait3A_241 : memref<1x2048xi32, #tpu.memory_space<vmem>>)
        %dma_wait3A_244 = arith.constant 3 : i32
        %dma_wait3A_245 = arith.constant 0 : i32
        %dma_wait3A_246 = tpu.memref_slice %arg10[%rem3A_208, %dma_wait3A_244, %dma_wait3A_245] : memref<2x4x2048xi32, #tpu.memory_space<vmem>> -> memref<1x1x2048xi32, #tpu.memory_space<vmem>>
        %dma_wait3A_247 = tpu.memref_squeeze %dma_wait3A_246 : memref<1x1x2048xi32, #tpu.memory_space<vmem>> -> memref<1x2048xi32, #tpu.memory_space<vmem>>
        %dma_wait3A_248 = arith.constant 2 : i32
        %dma_wait3A_249 = tpu.memref_slice %arg3[%dma_wait3A_248, %mul3A_206] : memref<3x16384xi32, #tpu.memory_space<hbm>> -> memref<1x2048xi32, #tpu.memory_space<hbm>>
        %dma_wait3A_250 = arith.constant 3 : i32
        %dma_wait3A_251 = arith.constant 0 : i32
        %dma_wait3A_252 = tpu.memref_slice %arg10[%rem3A_208, %dma_wait3A_250, %dma_wait3A_251] : memref<2x4x2048xi32, #tpu.memory_space<vmem>> -> memref<1x1x2048xi32, #tpu.memory_space<vmem>>
        %dma_wait3A_253 = tpu.memref_squeeze %dma_wait3A_252 : memref<1x1x2048xi32, #tpu.memory_space<vmem>> -> memref<1x2048xi32, #tpu.memory_space<vmem>>
        %dma_wait3A_254 = arith.constant 2 : i32
        %dma_wait3A_255 = tpu.memref_slice %arg3[%dma_wait3A_254, %mul3A_206] : memref<3x16384xi32, #tpu.memory_space<hbm>> -> memref<1x2048xi32, #tpu.memory_space<hbm>>
        tpu.wait_dma2 semaphore(%arg12 : memref<!tpu.dma_semaphore, #tpu.memory_space<semaphore_mem>>) src(%dma_wait3A_255 : memref<1x2048xi32, #tpu.memory_space<hbm>>) dst(%dma_wait3A_253 : memref<1x2048xi32, #tpu.memory_space<vmem>>)
        %add3A_256 = arith.constant 1 : i32
        %add3A_257 = arith.addi %scan3A_203, %add3A_256 : i32
        %lt3A = arith.constant 8 : i32
        %lt3A_258 = arith.cmpi slt, %add3A_257, %lt3A : i32
        %convert_element_type3A_259 = arith.extui %lt3A_258 : i1 to i32
        %cond3A_260 = arith.constant 0 : i32
        %cond3A_261 = arith.cmpi ne, %convert_element_type3A_259, %cond3A_260 : i32
        scf.if %cond3A_261 {
          %add3A_289 = arith.constant 1 : i32
          %add3A_290 = arith.addi %scan3A_203, %add3A_289 : i32
          %mul3A_291 = arith.constant 2048 : i32
          %mul3A_292 = arith.muli %add3A_290, %mul3A_291 : i32
          %rem3A_293 = arith.constant 2 : i32
          %rem3A_294 = arith.remsi %add3A_290, %rem3A_293 : i32
          %dma_start3A_295 = arith.constant 0 : i32
          %dma_start3A_296 = arith.constant 0 : i32
          %dma_start3A_297 = tpu.memref_slice %arg10[%rem3A_294, %dma_start3A_295, %dma_start3A_296] : memref<2x4x2048xi32, #tpu.memory_space<vmem>> -> memref<1x1x2048xi32, #tpu.memory_space<vmem>>
          %dma_start3A_298 = tpu.memref_squeeze %dma_start3A_297 : memref<1x1x2048xi32, #tpu.memory_space<vmem>> -> memref<1x2048xi32, #tpu.memory_space<vmem>>
          %dma_start3A_299 = arith.constant 0 : i32
          %dma_start3A_300 = tpu.memref_slice %arg2[%dma_start3A_299, %mul3A_292] : memref<3x16384xi32, #tpu.memory_space<hbm>> -> memref<1x2048xi32, #tpu.memory_space<hbm>>
          %dma_start3A_301 = arith.constant 0 : i32
          %dma_start3A_302 = arith.constant 0 : i32
          %dma_start3A_303 = tpu.memref_slice %arg10[%rem3A_294, %dma_start3A_301, %dma_start3A_302] : memref<2x4x2048xi32, #tpu.memory_space<vmem>> -> memref<1x1x2048xi32, #tpu.memory_space<vmem>>
          %dma_start3A_304 = tpu.memref_squeeze %dma_start3A_303 : memref<1x1x2048xi32, #tpu.memory_space<vmem>> -> memref<1x2048xi32, #tpu.memory_space<vmem>>
          %dma_start3A_305 = arith.constant 0 : i32
          %dma_start3A_306 = tpu.memref_slice %arg2[%dma_start3A_305, %mul3A_292] : memref<3x16384xi32, #tpu.memory_space<hbm>> -> memref<1x2048xi32, #tpu.memory_space<hbm>>
          tpu.enqueue_dma source(%dma_start3A_306 : memref<1x2048xi32, #tpu.memory_space<hbm>>) target(%dma_start3A_304 : memref<1x2048xi32, #tpu.memory_space<vmem>>) target_semaphore(%arg12 : memref<!tpu.dma_semaphore, #tpu.memory_space<semaphore_mem>>)
          %dma_start3A_307 = arith.constant 1 : i32
          %dma_start3A_308 = arith.constant 0 : i32
          %dma_start3A_309 = tpu.memref_slice %arg10[%rem3A_294, %dma_start3A_307, %dma_start3A_308] : memref<2x4x2048xi32, #tpu.memory_space<vmem>> -> memref<1x1x2048xi32, #tpu.memory_space<vmem>>
          %dma_start3A_310 = tpu.memref_squeeze %dma_start3A_309 : memref<1x1x2048xi32, #tpu.memory_space<vmem>> -> memref<1x2048xi32, #tpu.memory_space<vmem>>
          %dma_start3A_311 = arith.constant 2 : i32
          %dma_start3A_312 = tpu.memref_slice %arg2[%dma_start3A_311, %mul3A_292] : memref<3x16384xi32, #tpu.memory_space<hbm>> -> memref<1x2048xi32, #tpu.memory_space<hbm>>
          %dma_start3A_313 = arith.constant 1 : i32
          %dma_start3A_314 = arith.constant 0 : i32
          %dma_start3A_315 = tpu.memref_slice %arg10[%rem3A_294, %dma_start3A_313, %dma_start3A_314] : memref<2x4x2048xi32, #tpu.memory_space<vmem>> -> memref<1x1x2048xi32, #tpu.memory_space<vmem>>
          %dma_start3A_316 = tpu.memref_squeeze %dma_start3A_315 : memref<1x1x2048xi32, #tpu.memory_space<vmem>> -> memref<1x2048xi32, #tpu.memory_space<vmem>>
          %dma_start3A_317 = arith.constant 2 : i32
          %dma_start3A_318 = tpu.memref_slice %arg2[%dma_start3A_317, %mul3A_292] : memref<3x16384xi32, #tpu.memory_space<hbm>> -> memref<1x2048xi32, #tpu.memory_space<hbm>>
          tpu.enqueue_dma source(%dma_start3A_318 : memref<1x2048xi32, #tpu.memory_space<hbm>>) target(%dma_start3A_316 : memref<1x2048xi32, #tpu.memory_space<vmem>>) target_semaphore(%arg12 : memref<!tpu.dma_semaphore, #tpu.memory_space<semaphore_mem>>)
          %dma_start3A_319 = arith.constant 2 : i32
          %dma_start3A_320 = arith.constant 0 : i32
          %dma_start3A_321 = tpu.memref_slice %arg10[%rem3A_294, %dma_start3A_319, %dma_start3A_320] : memref<2x4x2048xi32, #tpu.memory_space<vmem>> -> memref<1x1x2048xi32, #tpu.memory_space<vmem>>
          %dma_start3A_322 = tpu.memref_squeeze %dma_start3A_321 : memref<1x1x2048xi32, #tpu.memory_space<vmem>> -> memref<1x2048xi32, #tpu.memory_space<vmem>>
          %dma_start3A_323 = arith.constant 0 : i32
          %dma_start3A_324 = tpu.memref_slice %arg3[%dma_start3A_323, %mul3A_292] : memref<3x16384xi32, #tpu.memory_space<hbm>> -> memref<1x2048xi32, #tpu.memory_space<hbm>>
          %dma_start3A_325 = arith.constant 2 : i32
          %dma_start3A_326 = arith.constant 0 : i32
          %dma_start3A_327 = tpu.memref_slice %arg10[%rem3A_294, %dma_start3A_325, %dma_start3A_326] : memref<2x4x2048xi32, #tpu.memory_space<vmem>> -> memref<1x1x2048xi32, #tpu.memory_space<vmem>>
          %dma_start3A_328 = tpu.memref_squeeze %dma_start3A_327 : memref<1x1x2048xi32, #tpu.memory_space<vmem>> -> memref<1x2048xi32, #tpu.memory_space<vmem>>
          %dma_start3A_329 = arith.constant 0 : i32
          %dma_start3A_330 = tpu.memref_slice %arg3[%dma_start3A_329, %mul3A_292] : memref<3x16384xi32, #tpu.memory_space<hbm>> -> memref<1x2048xi32, #tpu.memory_space<hbm>>
          tpu.enqueue_dma source(%dma_start3A_330 : memref<1x2048xi32, #tpu.memory_space<hbm>>) target(%dma_start3A_328 : memref<1x2048xi32, #tpu.memory_space<vmem>>) target_semaphore(%arg12 : memref<!tpu.dma_semaphore, #tpu.memory_space<semaphore_mem>>)
          %dma_start3A_331 = arith.constant 3 : i32
          %dma_start3A_332 = arith.constant 0 : i32
          %dma_start3A_333 = tpu.memref_slice %arg10[%rem3A_294, %dma_start3A_331, %dma_start3A_332] : memref<2x4x2048xi32, #tpu.memory_space<vmem>> -> memref<1x1x2048xi32, #tpu.memory_space<vmem>>
          %dma_start3A_334 = tpu.memref_squeeze %dma_start3A_333 : memref<1x1x2048xi32, #tpu.memory_space<vmem>> -> memref<1x2048xi32, #tpu.memory_space<vmem>>
          %dma_start3A_335 = arith.constant 2 : i32
          %dma_start3A_336 = tpu.memref_slice %arg3[%dma_start3A_335, %mul3A_292] : memref<3x16384xi32, #tpu.memory_space<hbm>> -> memref<1x2048xi32, #tpu.memory_space<hbm>>
          %dma_start3A_337 = arith.constant 3 : i32
          %dma_start3A_338 = arith.constant 0 : i32
          %dma_start3A_339 = tpu.memref_slice %arg10[%rem3A_294, %dma_start3A_337, %dma_start3A_338] : memref<2x4x2048xi32, #tpu.memory_space<vmem>> -> memref<1x1x2048xi32, #tpu.memory_space<vmem>>
          %dma_start3A_340 = tpu.memref_squeeze %dma_start3A_339 : memref<1x1x2048xi32, #tpu.memory_space<vmem>> -> memref<1x2048xi32, #tpu.memory_space<vmem>>
          %dma_start3A_341 = arith.constant 2 : i32
          %dma_start3A_342 = tpu.memref_slice %arg3[%dma_start3A_341, %mul3A_292] : memref<3x16384xi32, #tpu.memory_space<hbm>> -> memref<1x2048xi32, #tpu.memory_space<hbm>>
          tpu.enqueue_dma source(%dma_start3A_342 : memref<1x2048xi32, #tpu.memory_space<hbm>>) target(%dma_start3A_340 : memref<1x2048xi32, #tpu.memory_space<vmem>>) target_semaphore(%arg12 : memref<!tpu.dma_semaphore, #tpu.memory_space<semaphore_mem>>)
        } else {
        }
        %ge3A = arith.constant 2 : i32
        %ge3A_262 = arith.cmpi sge, %scan3A_203, %ge3A : i32
        %convert_element_type3A_263 = arith.extui %ge3A_262 : i1 to i32
        %cond3A_264 = arith.constant 0 : i32
        %cond3A_265 = arith.cmpi ne, %convert_element_type3A_263, %cond3A_264 : i32
        scf.if %cond3A_265 {
          %sub3A = arith.constant 2 : i32
          %sub3A_289 = arith.subi %scan3A_203, %sub3A : i32
          %rem3A_290 = arith.constant 2 : i32
          %rem3A_291 = arith.remsi %sub3A_289, %rem3A_290 : i32
          %mul3A_292 = arith.constant 2048 : i32
          %mul3A_293 = arith.muli %sub3A_289, %mul3A_292 : i32
          %rem3A_294 = arith.constant 2 : i32
          %rem3A_295 = arith.remsi %sub3A_289, %rem3A_294 : i32
          %eq3A_296 = arith.constant 0 : i32
          %eq3A_297 = arith.cmpi eq, %rem3A_295, %eq3A_296 : i32
          %convert_element_type3A_298 = arith.extui %eq3A_297 : i1 to i32
          %cond3A_299 = arith.constant 0 : i32
          %cond3A_300 = arith.cmpi ne, %convert_element_type3A_298, %cond3A_299 : i32
          scf.if %cond3A_300 {
            %dma_wait3A_308 = arith.constant 0 : i32
            %dma_wait3A_309 = arith.constant 0 : i32
            %dma_wait3A_310 = tpu.memref_slice %arg9[%rem3A_291, %dma_wait3A_308, %dma_wait3A_309] : memref<2x2x2048xf32, #tpu.memory_space<vmem>> -> memref<1x2x2048xf32, #tpu.memory_space<vmem>>
            %dma_wait3A_311 = arith.constant 0 : i32
            %dma_wait3A_312 = tpu.memref_slice %arg7[%add3A, %dma_wait3A_311, %mul3A_293] : memref<32x2x16384xf32, #tpu.memory_space<hbm>> -> memref<1x2x2048xf32, #tpu.memory_space<hbm>>
            %dma_wait3A_313 = arith.constant 0 : i32
            %dma_wait3A_314 = tpu.memref_slice %arg7[%add3A, %dma_wait3A_313, %mul3A_293] : memref<32x2x16384xf32, #tpu.memory_space<hbm>> -> memref<1x2x2048xf32, #tpu.memory_space<hbm>>
            %dma_wait3A_315 = arith.constant 0 : i32
            %dma_wait3A_316 = arith.constant 0 : i32
            %dma_wait3A_317 = tpu.memref_slice %arg9[%rem3A_291, %dma_wait3A_315, %dma_wait3A_316] : memref<2x2x2048xf32, #tpu.memory_space<vmem>> -> memref<1x2x2048xf32, #tpu.memory_space<vmem>>
            tpu.wait_dma2 semaphore(%arg13 : memref<!tpu.dma_semaphore, #tpu.memory_space<semaphore_mem>>) src(%dma_wait3A_317 : memref<1x2x2048xf32, #tpu.memory_space<vmem>>) dst(%dma_wait3A_314 : memref<1x2x2048xf32, #tpu.memory_space<hbm>>)
          } else {
          }
          %rem3A_301 = arith.constant 2 : i32
          %rem3A_302 = arith.remsi %sub3A_289, %rem3A_301 : i32
          %eq3A_303 = arith.constant 1 : i32
          %eq3A_304 = arith.cmpi eq, %rem3A_302, %eq3A_303 : i32
          %convert_element_type3A_305 = arith.extui %eq3A_304 : i1 to i32
          %cond3A_306 = arith.constant 0 : i32
          %cond3A_307 = arith.cmpi ne, %convert_element_type3A_305, %cond3A_306 : i32
          scf.if %cond3A_307 {
            %dma_wait3A_308 = arith.constant 0 : i32
            %dma_wait3A_309 = arith.constant 0 : i32
            %dma_wait3A_310 = tpu.memref_slice %arg9[%rem3A_291, %dma_wait3A_308, %dma_wait3A_309] : memref<2x2x2048xf32, #tpu.memory_space<vmem>> -> memref<1x2x2048xf32, #tpu.memory_space<vmem>>
            %dma_wait3A_311 = arith.constant 0 : i32
            %dma_wait3A_312 = tpu.memref_slice %arg7[%add3A, %dma_wait3A_311, %mul3A_293] : memref<32x2x16384xf32, #tpu.memory_space<hbm>> -> memref<1x2x2048xf32, #tpu.memory_space<hbm>>
            %dma_wait3A_313 = arith.constant 0 : i32
            %dma_wait3A_314 = tpu.memref_slice %arg7[%add3A, %dma_wait3A_313, %mul3A_293] : memref<32x2x16384xf32, #tpu.memory_space<hbm>> -> memref<1x2x2048xf32, #tpu.memory_space<hbm>>
            %dma_wait3A_315 = arith.constant 0 : i32
            %dma_wait3A_316 = arith.constant 0 : i32
            %dma_wait3A_317 = tpu.memref_slice %arg9[%rem3A_291, %dma_wait3A_315, %dma_wait3A_316] : memref<2x2x2048xf32, #tpu.memory_space<vmem>> -> memref<1x2x2048xf32, #tpu.memory_space<vmem>>
            tpu.wait_dma2 semaphore(%arg14 : memref<!tpu.dma_semaphore, #tpu.memory_space<semaphore_mem>>) src(%dma_wait3A_317 : memref<1x2x2048xf32, #tpu.memory_space<vmem>>) dst(%dma_wait3A_314 : memref<1x2x2048xf32, #tpu.memory_space<hbm>>)
          } else {
          }
        } else {
        }
        %rem3A_266 = arith.constant 2 : i32
        %rem3A_267 = arith.remsi %scan3A_203, %rem3A_266 : i32
        %parallel_loop3A = arith.constant 0 : i32
        %parallel_loop3A_268 = arith.constant 128 : i32
        %parallel_loop3A_269 = arith.constant 1 : i32
        scf.for %parallel_loop3A_289 = %parallel_loop3A to %parallel_loop3A_268 step %parallel_loop3A_269  : i32 {
          %parallel_loop3A_290 = arith.constant 16 : i32
          %parallel_loop3A_291 = arith.muli %parallel_loop3A_289, %parallel_loop3A_290 : i32
          %parallel_loop3A_292 = arith.constant 0 : i32
          %parallel_loop3A_293 = arith.index_cast %rem3A_267 : i32 to index
          %parallel_loop3A_294 = arith.index_cast %parallel_loop3A_292 : i32 to index
          %parallel_loop3A_295 = arith.index_cast %parallel_loop3A_291 : i32 to index
          %parallel_loop3A_296 = tpu.vector_load %arg10[%parallel_loop3A_293, %parallel_loop3A_294, %parallel_loop3A_295] {strides = array<i32>} : memref<2x4x2048xi32, #tpu.memory_space<vmem>>, vector<16xi32>,
          %parallel_loop3A_297 = arith.constant 1 : i32
          %parallel_loop3A_298 = arith.index_cast %rem3A_267 : i32 to index
          %parallel_loop3A_299 = arith.index_cast %parallel_loop3A_297 : i32 to index
          %parallel_loop3A_300 = arith.index_cast %parallel_loop3A_291 : i32 to index
          %parallel_loop3A_301 = tpu.vector_load %arg10[%parallel_loop3A_298, %parallel_loop3A_299, %parallel_loop3A_300] {strides = array<i32>} : memref<2x4x2048xi32, #tpu.memory_space<vmem>>, vector<16xi32>,
          %parallel_loop3A_302 = tpu.vector_load_idx %arg8[%broadcast_in_dim3A_1, %parallel_loop3A_296] : memref<1x100000xf32, #tpu.memory_space<vmem>>[vector<16xi32>, vector<16xi32>], vector<16xf32>,
          %parallel_loop3A_303 = tpu.vector_load_idx %arg8[%broadcast_in_dim3A_1, %parallel_loop3A_301] : memref<1x100000xf32, #tpu.memory_space<vmem>>[vector<16xi32>, vector<16xi32>], vector<16xf32>,
          %parallel_loop3A_304 = arith.subf %parallel_loop3A_302, %parallel_loop3A_303 : vector<16xf32>
          %parallel_loop3A_305 = arith.constant 0 : i32
          %parallel_loop3A_306 = arith.index_cast %rem3A_267 : i32 to index
          %parallel_loop3A_307 = arith.index_cast %parallel_loop3A_305 : i32 to index
          %parallel_loop3A_308 = arith.index_cast %parallel_loop3A_291 : i32 to index
          %parallel_loop3A_309 = tpu.vector_load %arg9[%parallel_loop3A_306, %parallel_loop3A_307, %parallel_loop3A_308] {strides = array<i32>} : memref<2x2x2048xf32, #tpu.memory_space<vmem>>, vector<16xf32>,
          tpu.vector_store %arg9[%parallel_loop3A_306, %parallel_loop3A_307, %parallel_loop3A_308], %parallel_loop3A_304 {strides = array<i32>} : memref<2x2x2048xf32, #tpu.memory_space<vmem>>, vector<16xf32>,
          %parallel_loop3A_310 = arith.constant 2 : i32
          %parallel_loop3A_311 = arith.index_cast %rem3A_267 : i32 to index
          %parallel_loop3A_312 = arith.index_cast %parallel_loop3A_310 : i32 to index
          %parallel_loop3A_313 = arith.index_cast %parallel_loop3A_291 : i32 to index
          %parallel_loop3A_314 = tpu.vector_load %arg10[%parallel_loop3A_311, %parallel_loop3A_312, %parallel_loop3A_313] {strides = array<i32>} : memref<2x4x2048xi32, #tpu.memory_space<vmem>>, vector<16xi32>,
          %parallel_loop3A_315 = arith.constant 3 : i32
          %parallel_loop3A_316 = arith.index_cast %rem3A_267 : i32 to index
          %parallel_loop3A_317 = arith.index_cast %parallel_loop3A_315 : i32 to index
          %parallel_loop3A_318 = arith.index_cast %parallel_loop3A_291 : i32 to index
          %parallel_loop3A_319 = tpu.vector_load %arg10[%parallel_loop3A_316, %parallel_loop3A_317, %parallel_loop3A_318] {strides = array<i32>} : memref<2x4x2048xi32, #tpu.memory_space<vmem>>, vector<16xi32>,
          %parallel_loop3A_320 = tpu.vector_load_idx %arg8[%broadcast_in_dim3A_1, %parallel_loop3A_314] : memref<1x100000xf32, #tpu.memory_space<vmem>>[vector<16xi32>, vector<16xi32>], vector<16xf32>,
          %parallel_loop3A_321 = tpu.vector_load_idx %arg8[%broadcast_in_dim3A_1, %parallel_loop3A_319] : memref<1x100000xf32, #tpu.memory_space<vmem>>[vector<16xi32>, vector<16xi32>], vector<16xf32>,
          %parallel_loop3A_322 = arith.subf %parallel_loop3A_320, %parallel_loop3A_321 : vector<16xf32>
          %parallel_loop3A_323 = arith.constant 1 : i32
          %parallel_loop3A_324 = arith.index_cast %rem3A_267 : i32 to index
          %parallel_loop3A_325 = arith.index_cast %parallel_loop3A_323 : i32 to index
          %parallel_loop3A_326 = arith.index_cast %parallel_loop3A_291 : i32 to index
          %parallel_loop3A_327 = tpu.vector_load %arg9[%parallel_loop3A_324, %parallel_loop3A_325, %parallel_loop3A_326] {strides = array<i32>} : memref<2x2x2048xf32, #tpu.memory_space<vmem>>, vector<16xf32>,
          tpu.vector_store %arg9[%parallel_loop3A_324, %parallel_loop3A_325, %parallel_loop3A_326], %parallel_loop3A_322 {strides = array<i32>} : memref<2x2x2048xf32, #tpu.memory_space<vmem>>, vector<16xf32>,
        } {sc.loop_unroll_factor = 8 : i64, sc.parallel_access}
        %rem3A_270 = arith.constant 2 : i32
        %rem3A_271 = arith.remsi %scan3A_203, %rem3A_270 : i32
        %mul3A_272 = arith.constant 2048 : i32
        %mul3A_273 = arith.muli %scan3A_203, %mul3A_272 : i32
        %rem3A_274 = arith.constant 2 : i32
        %rem3A_275 = arith.remsi %scan3A_203, %rem3A_274 : i32
        %eq3A_276 = arith.constant 0 : i32
        %eq3A_277 = arith.cmpi eq, %rem3A_275, %eq3A_276 : i32
        %convert_element_type3A_278 = arith.extui %eq3A_277 : i1 to i32
        %cond3A_279 = arith.constant 0 : i32
        %cond3A_280 = arith.cmpi ne, %convert_element_type3A_278, %cond3A_279 : i32
        scf.if %cond3A_280 {
          %dma_start3A_289 = arith.constant 0 : i32
          %dma_start3A_290 = arith.constant 0 : i32
          %dma_start3A_291 = tpu.memref_slice %arg9[%rem3A_271, %dma_start3A_289, %dma_start3A_290] : memref<2x2x2048xf32, #tpu.memory_space<vmem>> -> memref<1x2x2048xf32, #tpu.memory_space<vmem>>
          %dma_start3A_292 = arith.constant 0 : i32
          %dma_start3A_293 = tpu.memref_slice %arg7[%add3A, %dma_start3A_292, %mul3A_273] : memref<32x2x16384xf32, #tpu.memory_space<hbm>> -> memref<1x2x2048xf32, #tpu.memory_space<hbm>>
          %dma_start3A_294 = arith.constant 0 : i32
          %dma_start3A_295 = tpu.memref_slice %arg7[%add3A, %dma_start3A_294, %mul3A_273] : memref<32x2x16384xf32, #tpu.memory_space<hbm>> -> memref<1x2x2048xf32, #tpu.memory_space<hbm>>
          %dma_start3A_296 = arith.constant 0 : i32
          %dma_start3A_297 = arith.constant 0 : i32
          %dma_start3A_298 = tpu.memref_slice %arg9[%rem3A_271, %dma_start3A_296, %dma_start3A_297] : memref<2x2x2048xf32, #tpu.memory_space<vmem>> -> memref<1x2x2048xf32, #tpu.memory_space<vmem>>
          tpu.enqueue_dma source(%dma_start3A_298 : memref<1x2x2048xf32, #tpu.memory_space<vmem>>) target(%dma_start3A_295 : memref<1x2x2048xf32, #tpu.memory_space<hbm>>) target_semaphore(%arg13 : memref<!tpu.dma_semaphore, #tpu.memory_space<semaphore_mem>>)
        } else {
        }
        %rem3A_281 = arith.constant 2 : i32
        %rem3A_282 = arith.remsi %scan3A_203, %rem3A_281 : i32
        %eq3A_283 = arith.constant 1 : i32
        %eq3A_284 = arith.cmpi eq, %rem3A_282, %eq3A_283 : i32
        %convert_element_type3A_285 = arith.extui %eq3A_284 : i1 to i32
        %cond3A_286 = arith.constant 0 : i32
        %cond3A_287 = arith.cmpi ne, %convert_element_type3A_285, %cond3A_286 : i32
        scf.if %cond3A_287 {
          %dma_start3A_289 = arith.constant 0 : i32
          %dma_start3A_290 = arith.constant 0 : i32
          %dma_start3A_291 = tpu.memref_slice %arg9[%rem3A_271, %dma_start3A_289, %dma_start3A_290] : memref<2x2x2048xf32, #tpu.memory_space<vmem>> -> memref<1x2x2048xf32, #tpu.memory_space<vmem>>
          %dma_start3A_292 = arith.constant 0 : i32
          %dma_start3A_293 = tpu.memref_slice %arg7[%add3A, %dma_start3A_292, %mul3A_273] : memref<32x2x16384xf32, #tpu.memory_space<hbm>> -> memref<1x2x2048xf32, #tpu.memory_space<hbm>>
          %dma_start3A_294 = arith.constant 0 : i32
          %dma_start3A_295 = tpu.memref_slice %arg7[%add3A, %dma_start3A_294, %mul3A_273] : memref<32x2x16384xf32, #tpu.memory_space<hbm>> -> memref<1x2x2048xf32, #tpu.memory_space<hbm>>
          %dma_start3A_296 = arith.constant 0 : i32
          %dma_start3A_297 = arith.constant 0 : i32
          %dma_start3A_298 = tpu.memref_slice %arg9[%rem3A_271, %dma_start3A_296, %dma_start3A_297] : memref<2x2x2048xf32, #tpu.memory_space<vmem>> -> memref<1x2x2048xf32, #tpu.memory_space<vmem>>
          tpu.enqueue_dma source(%dma_start3A_298 : memref<1x2x2048xf32, #tpu.memory_space<vmem>>) target(%dma_start3A_295 : memref<1x2x2048xf32, #tpu.memory_space<hbm>>) target_semaphore(%arg14 : memref<!tpu.dma_semaphore, #tpu.memory_space<semaphore_mem>>)
        } else {
        }
        %scan3A_288 = arith.constant 0 : i32
        scf.yield %scan3A_288 : i32
      }
      %scan3A_76 = arith.constant 8 : i32
      %rem3A_77 = arith.constant 6 : i32
      %rem3A_78 = arith.constant 2 : i32
      %rem3A_79 = arith.remsi %rem3A_77, %rem3A_78 : i32
      %rem3A_80 = arith.constant 6 : i32
      %rem3A_81 = arith.constant 2 : i32
      %rem3A_82 = arith.remsi %rem3A_80, %rem3A_81 : i32
      %eq3A = arith.constant 0 : i32
      %eq3A_83 = arith.cmpi eq, %rem3A_82, %eq3A : i32
      %convert_element_type3A = arith.extui %eq3A_83 : i1 to i32
      %cond3A = arith.constant 0 : i32
      %cond3A_84 = arith.cmpi ne, %convert_element_type3A, %cond3A : i32
      scf.if %cond3A_84 {
        %dma_wait3A = arith.constant 0 : i32
        %dma_wait3A_203 = arith.constant 0 : i32
        %dma_wait3A_204 = tpu.memref_slice %arg9[%rem3A_79, %dma_wait3A, %dma_wait3A_203] : memref<2x2x2048xf32, #tpu.memory_space<vmem>> -> memref<1x2x2048xf32, #tpu.memory_space<vmem>>
        %dma_wait3A_205 = arith.constant 0 : i32
        %dma_wait3A_206 = arith.constant 12288 : i32
        %dma_wait3A_207 = tpu.memref_slice %arg7[%add3A, %dma_wait3A_205, %dma_wait3A_206] : memref<32x2x16384xf32, #tpu.memory_space<hbm>> -> memref<1x2x2048xf32, #tpu.memory_space<hbm>>
        %dma_wait3A_208 = arith.constant 0 : i32
        %dma_wait3A_209 = arith.constant 12288 : i32
        %dma_wait3A_210 = tpu.memref_slice %arg7[%add3A, %dma_wait3A_208, %dma_wait3A_209] : memref<32x2x16384xf32, #tpu.memory_space<hbm>> -> memref<1x2x2048xf32, #tpu.memory_space<hbm>>
        %dma_wait3A_211 = arith.constant 0 : i32
        %dma_wait3A_212 = arith.constant 0 : i32
        %dma_wait3A_213 = tpu.memref_slice %arg9[%rem3A_79, %dma_wait3A_211, %dma_wait3A_212] : memref<2x2x2048xf32, #tpu.memory_space<vmem>> -> memref<1x2x2048xf32, #tpu.memory_space<vmem>>
        tpu.wait_dma2 semaphore(%arg13 : memref<!tpu.dma_semaphore, #tpu.memory_space<semaphore_mem>>) src(%dma_wait3A_213 : memref<1x2x2048xf32, #tpu.memory_space<vmem>>) dst(%dma_wait3A_210 : memref<1x2x2048xf32, #tpu.memory_space<hbm>>)
      } else {
      }
      %rem3A_85 = arith.constant 6 : i32
      %rem3A_86 = arith.constant 2 : i32
      %rem3A_87 = arith.remsi %rem3A_85, %rem3A_86 : i32
      %eq3A_88 = arith.constant 1 : i32
      %eq3A_89 = arith.cmpi eq, %rem3A_87, %eq3A_88 : i32
      %convert_element_type3A_90 = arith.extui %eq3A_89 : i1 to i32
      %cond3A_91 = arith.constant 0 : i32
      %cond3A_92 = arith.cmpi ne, %convert_element_type3A_90, %cond3A_91 : i32
      scf.if %cond3A_92 {
        %dma_wait3A = arith.constant 0 : i32
        %dma_wait3A_203 = arith.constant 0 : i32
        %dma_wait3A_204 = tpu.memref_slice %arg9[%rem3A_79, %dma_wait3A, %dma_wait3A_203] : memref<2x2x2048xf32, #tpu.memory_space<vmem>> -> memref<1x2x2048xf32, #tpu.memory_space<vmem>>
        %dma_wait3A_205 = arith.constant 0 : i32
        %dma_wait3A_206 = arith.constant 12288 : i32
        %dma_wait3A_207 = tpu.memref_slice %arg7[%add3A, %dma_wait3A_205, %dma_wait3A_206] : memref<32x2x16384xf32, #tpu.memory_space<hbm>> -> memref<1x2x2048xf32, #tpu.memory_space<hbm>>
        %dma_wait3A_208 = arith.constant 0 : i32
        %dma_wait3A_209 = arith.constant 12288 : i32
        %dma_wait3A_210 = tpu.memref_slice %arg7[%add3A, %dma_wait3A_208, %dma_wait3A_209] : memref<32x2x16384xf32, #tpu.memory_space<hbm>> -> memref<1x2x2048xf32, #tpu.memory_space<hbm>>
        %dma_wait3A_211 = arith.constant 0 : i32
        %dma_wait3A_212 = arith.constant 0 : i32
        %dma_wait3A_213 = tpu.memref_slice %arg9[%rem3A_79, %dma_wait3A_211, %dma_wait3A_212] : memref<2x2x2048xf32, #tpu.memory_space<vmem>> -> memref<1x2x2048xf32, #tpu.memory_space<vmem>>
        tpu.wait_dma2 semaphore(%arg14 : memref<!tpu.dma_semaphore, #tpu.memory_space<semaphore_mem>>) src(%dma_wait3A_213 : memref<1x2x2048xf32, #tpu.memory_space<vmem>>) dst(%dma_wait3A_210 : memref<1x2x2048xf32, #tpu.memory_space<hbm>>)
      } else {
      }
      %rem3A_93 = arith.constant 7 : i32
      %rem3A_94 = arith.constant 2 : i32
      %rem3A_95 = arith.remsi %rem3A_93, %rem3A_94 : i32
      %rem3A_96 = arith.constant 7 : i32
      %rem3A_97 = arith.constant 2 : i32
      %rem3A_98 = arith.remsi %rem3A_96, %rem3A_97 : i32
      %eq3A_99 = arith.constant 0 : i32
      %eq3A_100 = arith.cmpi eq, %rem3A_98, %eq3A_99 : i32
      %convert_element_type3A_101 = arith.extui %eq3A_100 : i1 to i32
      %cond3A_102 = arith.constant 0 : i32
      %cond3A_103 = arith.cmpi ne, %convert_element_type3A_101, %cond3A_102 : i32
      scf.if %cond3A_103 {
        %dma_wait3A = arith.constant 0 : i32
        %dma_wait3A_203 = arith.constant 0 : i32
        %dma_wait3A_204 = tpu.memref_slice %arg9[%rem3A_95, %dma_wait3A, %dma_wait3A_203] : memref<2x2x2048xf32, #tpu.memory_space<vmem>> -> memref<1x2x2048xf32, #tpu.memory_space<vmem>>
        %dma_wait3A_205 = arith.constant 0 : i32
        %dma_wait3A_206 = arith.constant 14336 : i32
        %dma_wait3A_207 = tpu.memref_slice %arg7[%add3A, %dma_wait3A_205, %dma_wait3A_206] : memref<32x2x16384xf32, #tpu.memory_space<hbm>> -> memref<1x2x2048xf32, #tpu.memory_space<hbm>>
        %dma_wait3A_208 = arith.constant 0 : i32
        %dma_wait3A_209 = arith.constant 14336 : i32
        %dma_wait3A_210 = tpu.memref_slice %arg7[%add3A, %dma_wait3A_208, %dma_wait3A_209] : memref<32x2x16384xf32, #tpu.memory_space<hbm>> -> memref<1x2x2048xf32, #tpu.memory_space<hbm>>
        %dma_wait3A_211 = arith.constant 0 : i32
        %dma_wait3A_212 = arith.constant 0 : i32
        %dma_wait3A_213 = tpu.memref_slice %arg9[%rem3A_95, %dma_wait3A_211, %dma_wait3A_212] : memref<2x2x2048xf32, #tpu.memory_space<vmem>> -> memref<1x2x2048xf32, #tpu.memory_space<vmem>>
        tpu.wait_dma2 semaphore(%arg13 : memref<!tpu.dma_semaphore, #tpu.memory_space<semaphore_mem>>) src(%dma_wait3A_213 : memref<1x2x2048xf32, #tpu.memory_space<vmem>>) dst(%dma_wait3A_210 : memref<1x2x2048xf32, #tpu.memory_space<hbm>>)
      } else {
      }
      %rem3A_104 = arith.constant 7 : i32
      %rem3A_105 = arith.constant 2 : i32
      %rem3A_106 = arith.remsi %rem3A_104, %rem3A_105 : i32
      %eq3A_107 = arith.constant 1 : i32
      %eq3A_108 = arith.cmpi eq, %rem3A_106, %eq3A_107 : i32
      %convert_element_type3A_109 = arith.extui %eq3A_108 : i1 to i32
      %cond3A_110 = arith.constant 0 : i32
      %cond3A_111 = arith.cmpi ne, %convert_element_type3A_109, %cond3A_110 : i32
      scf.if %cond3A_111 {
        %dma_wait3A = arith.constant 0 : i32
        %dma_wait3A_203 = arith.constant 0 : i32
        %dma_wait3A_204 = tpu.memref_slice %arg9[%rem3A_95, %dma_wait3A, %dma_wait3A_203] : memref<2x2x2048xf32, #tpu.memory_space<vmem>> -> memref<1x2x2048xf32, #tpu.memory_space<vmem>>
        %dma_wait3A_205 = arith.constant 0 : i32
        %dma_wait3A_206 = arith.constant 14336 : i32
        %dma_wait3A_207 = tpu.memref_slice %arg7[%add3A, %dma_wait3A_205, %dma_wait3A_206] : memref<32x2x16384xf32, #tpu.memory_space<hbm>> -> memref<1x2x2048xf32, #tpu.memory_space<hbm>>
        %dma_wait3A_208 = arith.constant 0 : i32
        %dma_wait3A_209 = arith.constant 14336 : i32
        %dma_wait3A_210 = tpu.memref_slice %arg7[%add3A, %dma_wait3A_208, %dma_wait3A_209] : memref<32x2x16384xf32, #tpu.memory_space<hbm>> -> memref<1x2x2048xf32, #tpu.memory_space<hbm>>
        %dma_wait3A_211 = arith.constant 0 : i32
        %dma_wait3A_212 = arith.constant 0 : i32
        %dma_wait3A_213 = tpu.memref_slice %arg9[%rem3A_95, %dma_wait3A_211, %dma_wait3A_212] : memref<2x2x2048xf32, #tpu.memory_space<vmem>> -> memref<1x2x2048xf32, #tpu.memory_space<vmem>>
        tpu.wait_dma2 semaphore(%arg14 : memref<!tpu.dma_semaphore, #tpu.memory_space<semaphore_mem>>) src(%dma_wait3A_213 : memref<1x2x2048xf32, #tpu.memory_space<vmem>>) dst(%dma_wait3A_210 : memref<1x2x2048xf32, #tpu.memory_space<hbm>>)
      } else {
      }
      %rem3A_112 = arith.constant 0 : i32
      %rem3A_113 = arith.constant 2 : i32
      %rem3A_114 = arith.remsi %rem3A_112, %rem3A_113 : i32
      %dma_start3A_115 = arith.constant 0 : i32
      %dma_start3A_116 = arith.constant 0 : i32
      %dma_start3A_117 = tpu.memref_slice %arg10[%rem3A_114, %dma_start3A_115, %dma_start3A_116] : memref<2x4x2048xi32, #tpu.memory_space<vmem>> -> memref<1x1x2048xi32, #tpu.memory_space<vmem>>
      %dma_start3A_118 = tpu.memref_squeeze %dma_start3A_117 : memref<1x1x2048xi32, #tpu.memory_space<vmem>> -> memref<1x2048xi32, #tpu.memory_space<vmem>>
      %dma_start3A_119 = arith.constant 1 : i32
      %dma_start3A_120 = arith.constant 0 : i32
      %dma_start3A_121 = tpu.memref_slice %arg2[%dma_start3A_119, %dma_start3A_120] : memref<3x16384xi32, #tpu.memory_space<hbm>> -> memref<1x2048xi32, #tpu.memory_space<hbm>>
      %dma_start3A_122 = arith.constant 0 : i32
      %dma_start3A_123 = arith.constant 0 : i32
      %dma_start3A_124 = tpu.memref_slice %arg10[%rem3A_114, %dma_start3A_122, %dma_start3A_123] : memref<2x4x2048xi32, #tpu.memory_space<vmem>> -> memref<1x1x2048xi32, #tpu.memory_space<vmem>>
      %dma_start3A_125 = tpu.memref_squeeze %dma_start3A_124 : memref<1x1x2048xi32, #tpu.memory_space<vmem>> -> memref<1x2048xi32, #tpu.memory_space<vmem>>
      %dma_start3A_126 = arith.constant 1 : i32
      %dma_start3A_127 = arith.constant 0 : i32
      %dma_start3A_128 = tpu.memref_slice %arg2[%dma_start3A_126, %dma_start3A_127] : memref<3x16384xi32, #tpu.memory_space<hbm>> -> memref<1x2048xi32, #tpu.memory_space<hbm>>
      tpu.enqueue_dma source(%dma_start3A_128 : memref<1x2048xi32, #tpu.memory_space<hbm>>) target(%dma_start3A_125 : memref<1x2048xi32, #tpu.memory_space<vmem>>) target_semaphore(%arg12 : memref<!tpu.dma_semaphore, #tpu.memory_space<semaphore_mem>>)
      %dma_start3A_129 = arith.constant 1 : i32
      %dma_start3A_130 = arith.constant 0 : i32
      %dma_start3A_131 = tpu.memref_slice %arg10[%rem3A_114, %dma_start3A_129, %dma_start3A_130] : memref<2x4x2048xi32, #tpu.memory_space<vmem>> -> memref<1x1x2048xi32, #tpu.memory_space<vmem>>
      %dma_start3A_132 = tpu.memref_squeeze %dma_start3A_131 : memref<1x1x2048xi32, #tpu.memory_space<vmem>> -> memref<1x2048xi32, #tpu.memory_space<vmem>>
      %dma_start3A_133 = arith.constant 1 : i32
      %dma_start3A_134 = arith.constant 0 : i32
      %dma_start3A_135 = tpu.memref_slice %arg3[%dma_start3A_133, %dma_start3A_134] : memref<3x16384xi32, #tpu.memory_space<hbm>> -> memref<1x2048xi32, #tpu.memory_space<hbm>>
      %dma_start3A_136 = arith.constant 1 : i32
      %dma_start3A_137 = arith.constant 0 : i32
      %dma_start3A_138 = tpu.memref_slice %arg10[%rem3A_114, %dma_start3A_136, %dma_start3A_137] : memref<2x4x2048xi32, #tpu.memory_space<vmem>> -> memref<1x1x2048xi32, #tpu.memory_space<vmem>>
      %dma_start3A_139 = tpu.memref_squeeze %dma_start3A_138 : memref<1x1x2048xi32, #tpu.memory_space<vmem>> -> memref<1x2048xi32, #tpu.memory_space<vmem>>
      %dma_start3A_140 = arith.constant 1 : i32
      %dma_start3A_141 = arith.constant 0 : i32
      %dma_start3A_142 = tpu.memref_slice %arg3[%dma_start3A_140, %dma_start3A_141] : memref<3x16384xi32, #tpu.memory_space<hbm>> -> memref<1x2048xi32, #tpu.memory_space<hbm>>
      tpu.enqueue_dma source(%dma_start3A_142 : memref<1x2048xi32, #tpu.memory_space<hbm>>) target(%dma_start3A_139 : memref<1x2048xi32, #tpu.memory_space<vmem>>) target_semaphore(%arg12 : memref<!tpu.dma_semaphore, #tpu.memory_space<semaphore_mem>>)
      %rem3A_143 = arith.constant 0 : i32
      %rem3A_144 = arith.constant 2 : i32
      %rem3A_145 = arith.remsi %rem3A_143, %rem3A_144 : i32
      %rem3A_146 = arith.constant 0 : i32
      %rem3A_147 = arith.constant 2 : i32
      %rem3A_148 = arith.remsi %rem3A_146, %rem3A_147 : i32
      %eq3A_149 = arith.constant 0 : i32
      %eq3A_150 = arith.cmpi eq, %rem3A_148, %eq3A_149 : i32
      %convert_element_type3A_151 = arith.extui %eq3A_150 : i1 to i32
      %cond3A_152 = arith.constant 0 : i32
      %cond3A_153 = arith.cmpi ne, %convert_element_type3A_151, %cond3A_152 : i32
      scf.if %cond3A_153 {
        %dma_start3A_203 = arith.constant 0 : i32
        %dma_start3A_204 = arith.constant 0 : i32
        %dma_start3A_205 = tpu.memref_slice %arg9[%rem3A_145, %dma_start3A_203, %dma_start3A_204] : memref<2x2x2048xf32, #tpu.memory_space<vmem>> -> memref<1x2x2048xf32, #tpu.memory_space<vmem>>
        %dma_start3A_206 = arith.constant 0 : i32
        %dma_start3A_207 = arith.constant 0 : i32
        %dma_start3A_208 = tpu.memref_slice %arg7[%add3A, %dma_start3A_206, %dma_start3A_207] : memref<32x2x16384xf32, #tpu.memory_space<hbm>> -> memref<1x2x2048xf32, #tpu.memory_space<hbm>>
        %dma_start3A_209 = arith.constant 0 : i32
        %dma_start3A_210 = arith.constant 0 : i32
        %dma_start3A_211 = tpu.memref_slice %arg9[%rem3A_145, %dma_start3A_209, %dma_start3A_210] : memref<2x2x2048xf32, #tpu.memory_space<vmem>> -> memref<1x2x2048xf32, #tpu.memory_space<vmem>>
        %dma_start3A_212 = arith.constant 0 : i32
        %dma_start3A_213 = arith.constant 0 : i32
        %dma_start3A_214 = tpu.memref_slice %arg7[%add3A, %dma_start3A_212, %dma_start3A_213] : memref<32x2x16384xf32, #tpu.memory_space<hbm>> -> memref<1x2x2048xf32, #tpu.memory_space<hbm>>
        tpu.enqueue_dma source(%dma_start3A_214 : memref<1x2x2048xf32, #tpu.memory_space<hbm>>) target(%dma_start3A_211 : memref<1x2x2048xf32, #tpu.memory_space<vmem>>) target_semaphore(%arg13 : memref<!tpu.dma_semaphore, #tpu.memory_space<semaphore_mem>>)
      } else {
      }
      %rem3A_154 = arith.constant 0 : i32
      %rem3A_155 = arith.constant 2 : i32
      %rem3A_156 = arith.remsi %rem3A_154, %rem3A_155 : i32
      %eq3A_157 = arith.constant 1 : i32
      %eq3A_158 = arith.cmpi eq, %rem3A_156, %eq3A_157 : i32
      %convert_element_type3A_159 = arith.extui %eq3A_158 : i1 to i32
      %cond3A_160 = arith.constant 0 : i32
      %cond3A_161 = arith.cmpi ne, %convert_element_type3A_159, %cond3A_160 : i32
      scf.if %cond3A_161 {
        %dma_start3A_203 = arith.constant 0 : i32
        %dma_start3A_204 = arith.constant 0 : i32
        %dma_start3A_205 = tpu.memref_slice %arg9[%rem3A_145, %dma_start3A_203, %dma_start3A_204] : memref<2x2x2048xf32, #tpu.memory_space<vmem>> -> memref<1x2x2048xf32, #tpu.memory_space<vmem>>
        %dma_start3A_206 = arith.constant 0 : i32
        %dma_start3A_207 = arith.constant 0 : i32
        %dma_start3A_208 = tpu.memref_slice %arg7[%add3A, %dma_start3A_206, %dma_start3A_207] : memref<32x2x16384xf32, #tpu.memory_space<hbm>> -> memref<1x2x2048xf32, #tpu.memory_space<hbm>>
        %dma_start3A_209 = arith.constant 0 : i32
        %dma_start3A_210 = arith.constant 0 : i32
        %dma_start3A_211 = tpu.memref_slice %arg9[%rem3A_145, %dma_start3A_209, %dma_start3A_210] : memref<2x2x2048xf32, #tpu.memory_space<vmem>> -> memref<1x2x2048xf32, #tpu.memory_space<vmem>>
        %dma_start3A_212 = arith.constant 0 : i32
        %dma_start3A_213 = arith.constant 0 : i32
        %dma_start3A_214 = tpu.memref_slice %arg7[%add3A, %dma_start3A_212, %dma_start3A_213] : memref<32x2x16384xf32, #tpu.memory_space<hbm>> -> memref<1x2x2048xf32, #tpu.memory_space<hbm>>
        tpu.enqueue_dma source(%dma_start3A_214 : memref<1x2x2048xf32, #tpu.memory_space<hbm>>) target(%dma_start3A_211 : memref<1x2x2048xf32, #tpu.memory_space<vmem>>) target_semaphore(%arg14 : memref<!tpu.dma_semaphore, #tpu.memory_space<semaphore_mem>>)
      } else {
      }
      %rem3A_162 = arith.constant 1 : i32
      %rem3A_163 = arith.constant 2 : i32
      %rem3A_164 = arith.remsi %rem3A_162, %rem3A_163 : i32
      %rem3A_165 = arith.constant 1 : i32
      %rem3A_166 = arith.constant 2 : i32
      %rem3A_167 = arith.remsi %rem3A_165, %rem3A_166 : i32
      %eq3A_168 = arith.constant 0 : i32
      %eq3A_169 = arith.cmpi eq, %rem3A_167, %eq3A_168 : i32
      %convert_element_type3A_170 = arith.extui %eq3A_169 : i1 to i32
      %cond3A_171 = arith.constant 0 : i32
      %cond3A_172 = arith.cmpi ne, %convert_element_type3A_170, %cond3A_171 : i32
      scf.if %cond3A_172 {
        %dma_start3A_203 = arith.constant 0 : i32
        %dma_start3A_204 = arith.constant 0 : i32
        %dma_start3A_205 = tpu.memref_slice %arg9[%rem3A_164, %dma_start3A_203, %dma_start3A_204] : memref<2x2x2048xf32, #tpu.memory_space<vmem>> -> memref<1x2x2048xf32, #tpu.memory_space<vmem>>
        %dma_start3A_206 = arith.constant 0 : i32
        %dma_start3A_207 = arith.constant 2048 : i32
        %dma_start3A_208 = tpu.memref_slice %arg7[%add3A, %dma_start3A_206, %dma_start3A_207] : memref<32x2x16384xf32, #tpu.memory_space<hbm>> -> memref<1x2x2048xf32, #tpu.memory_space<hbm>>
        %dma_start3A_209 = arith.constant 0 : i32
        %dma_start3A_210 = arith.constant 0 : i32
        %dma_start3A_211 = tpu.memref_slice %arg9[%rem3A_164, %dma_start3A_209, %dma_start3A_210] : memref<2x2x2048xf32, #tpu.memory_space<vmem>> -> memref<1x2x2048xf32, #tpu.memory_space<vmem>>
        %dma_start3A_212 = arith.constant 0 : i32
        %dma_start3A_213 = arith.constant 2048 : i32
        %dma_start3A_214 = tpu.memref_slice %arg7[%add3A, %dma_start3A_212, %dma_start3A_213] : memref<32x2x16384xf32, #tpu.memory_space<hbm>> -> memref<1x2x2048xf32, #tpu.memory_space<hbm>>
        tpu.enqueue_dma source(%dma_start3A_214 : memref<1x2x2048xf32, #tpu.memory_space<hbm>>) target(%dma_start3A_211 : memref<1x2x2048xf32, #tpu.memory_space<vmem>>) target_semaphore(%arg13 : memref<!tpu.dma_semaphore, #tpu.memory_space<semaphore_mem>>)
      } else {
      }
      %rem3A_173 = arith.constant 1 : i32
      %rem3A_174 = arith.constant 2 : i32
      %rem3A_175 = arith.remsi %rem3A_173, %rem3A_174 : i32
      %eq3A_176 = arith.constant 1 : i32
      %eq3A_177 = arith.cmpi eq, %rem3A_175, %eq3A_176 : i32
      %convert_element_type3A_178 = arith.extui %eq3A_177 : i1 to i32
      %cond3A_179 = arith.constant 0 : i32
      %cond3A_180 = arith.cmpi ne, %convert_element_type3A_178, %cond3A_179 : i32
      scf.if %cond3A_180 {
        %dma_start3A_203 = arith.constant 0 : i32
        %dma_start3A_204 = arith.constant 0 : i32
        %dma_start3A_205 = tpu.memref_slice %arg9[%rem3A_164, %dma_start3A_203, %dma_start3A_204] : memref<2x2x2048xf32, #tpu.memory_space<vmem>> -> memref<1x2x2048xf32, #tpu.memory_space<vmem>>
        %dma_start3A_206 = arith.constant 0 : i32
        %dma_start3A_207 = arith.constant 2048 : i32
        %dma_start3A_208 = tpu.memref_slice %arg7[%add3A, %dma_start3A_206, %dma_start3A_207] : memref<32x2x16384xf32, #tpu.memory_space<hbm>> -> memref<1x2x2048xf32, #tpu.memory_space<hbm>>
        %dma_start3A_209 = arith.constant 0 : i32
        %dma_start3A_210 = arith.constant 0 : i32
        %dma_start3A_211 = tpu.memref_slice %arg9[%rem3A_164, %dma_start3A_209, %dma_start3A_210] : memref<2x2x2048xf32, #tpu.memory_space<vmem>> -> memref<1x2x2048xf32, #tpu.memory_space<vmem>>
        %dma_start3A_212 = arith.constant 0 : i32
        %dma_start3A_213 = arith.constant 2048 : i32
        %dma_start3A_214 = tpu.memref_slice %arg7[%add3A, %dma_start3A_212, %dma_start3A_213] : memref<32x2x16384xf32, #tpu.memory_space<hbm>> -> memref<1x2x2048xf32, #tpu.memory_space<hbm>>
        tpu.enqueue_dma source(%dma_start3A_214 : memref<1x2x2048xf32, #tpu.memory_space<hbm>>) target(%dma_start3A_211 : memref<1x2x2048xf32, #tpu.memory_space<vmem>>) target_semaphore(%arg14 : memref<!tpu.dma_semaphore, #tpu.memory_space<semaphore_mem>>)
      } else {
      }
      "tpu.region"() ({
        %run_scoped3A = tpu.sem_alloc : memref<!tpu.dma_semaphore, #tpu.memory_space<semaphore_mem>>
        %dma_start3A_203 = arith.constant 0 : i32
        %dma_start3A_204 = tpu.memref_slice %arg5[%add3A_12, %dma_start3A_203] : memref<64x100000xf32, #tpu.memory_space<hbm>> -> memref<1x100000xf32, #tpu.memory_space<hbm>>
        %dma_start3A_205 = arith.constant 0 : i32
        %dma_start3A_206 = tpu.memref_slice %arg5[%add3A_12, %dma_start3A_205] : memref<64x100000xf32, #tpu.memory_space<hbm>> -> memref<1x100000xf32, #tpu.memory_space<hbm>>
        tpu.enqueue_dma source(%dma_start3A_206 : memref<1x100000xf32, #tpu.memory_space<hbm>>) target(%arg8 : memref<1x100000xf32, #tpu.memory_space<vmem>>) target_semaphore(%run_scoped3A : memref<!tpu.dma_semaphore, #tpu.memory_space<semaphore_mem>>)
        %dma_wait3A = arith.constant 0 : i32
        %dma_wait3A_207 = tpu.memref_slice %arg5[%add3A_12, %dma_wait3A] : memref<64x100000xf32, #tpu.memory_space<hbm>> -> memref<1x100000xf32, #tpu.memory_space<hbm>>
        %dma_wait3A_208 = arith.constant 0 : i32
        %dma_wait3A_209 = tpu.memref_slice %arg5[%add3A_12, %dma_wait3A_208] : memref<64x100000xf32, #tpu.memory_space<hbm>> -> memref<1x100000xf32, #tpu.memory_space<hbm>>
        tpu.wait_dma2 semaphore(%run_scoped3A : memref<!tpu.dma_semaphore, #tpu.memory_space<semaphore_mem>>) src(%dma_wait3A_209 : memref<1x100000xf32, #tpu.memory_space<hbm>>) dst(%arg8 : memref<1x100000xf32, #tpu.memory_space<vmem>>)
        tpu.yield
      }) : () -> ()
      %broadcast_in_dim3A_181 = arith.constant 0.000000e+00 : f32
      %broadcast_in_dim3A_182 = vector.broadcast %broadcast_in_dim3A_181 : f32 to vector<16xf32>
      %broadcast_in_dim3A_183 = arith.constant 0.000000e+00 : f32
      %broadcast_in_dim3A_184 = vector.broadcast %broadcast_in_dim3A_183 : f32 to vector<16xf32>
      %scan3A_185 = arith.constant 0 : i32
      %scan3A_186 = arith.constant 8 : i32
      %scan3A_187 = arith.addi %scan3A_185, %scan3A_186 : i32
      %scan3A_188 = arith.constant 1 : i32
      %scan3A_189:2 = scf.for %scan3A_203 = %scan3A_185 to %scan3A_187 step %scan3A_188 iter_args(%scan3A_204 = %broadcast_in_dim3A_182, %scan3A_205 = %broadcast_in_dim3A_184) -> (vector<16xf32>, vector<16xf32>)  : i32 {
        %mul3A_206 = arith.constant 2048 : i32
        %mul3A_207 = arith.muli %scan3A_203, %mul3A_206 : i32
        %rem3A_208 = arith.constant 2 : i32
        %rem3A_209 = arith.remsi %scan3A_203, %rem3A_208 : i32
        %dma_wait3A = arith.constant 0 : i32
        %dma_wait3A_210 = arith.constant 0 : i32
        %dma_wait3A_211 = tpu.memref_slice %arg10[%rem3A_209, %dma_wait3A, %dma_wait3A_210] : memref<2x4x2048xi32, #tpu.memory_space<vmem>> -> memref<1x1x2048xi32, #tpu.memory_space<vmem>>
        %dma_wait3A_212 = tpu.memref_squeeze %dma_wait3A_211 : memref<1x1x2048xi32, #tpu.memory_space<vmem>> -> memref<1x2048xi32, #tpu.memory_space<vmem>>
        %dma_wait3A_213 = arith.constant 1 : i32
        %dma_wait3A_214 = tpu.memref_slice %arg2[%dma_wait3A_213, %mul3A_207] : memref<3x16384xi32, #tpu.memory_space<hbm>> -> memref<1x2048xi32, #tpu.memory_space<hbm>>
        %dma_wait3A_215 = arith.constant 0 : i32
        %dma_wait3A_216 = arith.constant 0 : i32
        %dma_wait3A_217 = tpu.memref_slice %arg10[%rem3A_209, %dma_wait3A_215, %dma_wait3A_216] : memref<2x4x2048xi32, #tpu.memory_space<vmem>> -> memref<1x1x2048xi32, #tpu.memory_space<vmem>>
        %dma_wait3A_218 = tpu.memref_squeeze %dma_wait3A_217 : memref<1x1x2048xi32, #tpu.memory_space<vmem>> -> memref<1x2048xi32, #tpu.memory_space<vmem>>
        %dma_wait3A_219 = arith.constant 1 : i32
        %dma_wait3A_220 = tpu.memref_slice %arg2[%dma_wait3A_219, %mul3A_207] : memref<3x16384xi32, #tpu.memory_space<hbm>> -> memref<1x2048xi32, #tpu.memory_space<hbm>>
        tpu.wait_dma2 semaphore(%arg12 : memref<!tpu.dma_semaphore, #tpu.memory_space<semaphore_mem>>) src(%dma_wait3A_220 : memref<1x2048xi32, #tpu.memory_space<hbm>>) dst(%dma_wait3A_218 : memref<1x2048xi32, #tpu.memory_space<vmem>>)
        %dma_wait3A_221 = arith.constant 1 : i32
        %dma_wait3A_222 = arith.constant 0 : i32
        %dma_wait3A_223 = tpu.memref_slice %arg10[%rem3A_209, %dma_wait3A_221, %dma_wait3A_222] : memref<2x4x2048xi32, #tpu.memory_space<vmem>> -> memref<1x1x2048xi32, #tpu.memory_space<vmem>>
        %dma_wait3A_224 = tpu.memref_squeeze %dma_wait3A_223 : memref<1x1x2048xi32, #tpu.memory_space<vmem>> -> memref<1x2048xi32, #tpu.memory_space<vmem>>
        %dma_wait3A_225 = arith.constant 1 : i32
        %dma_wait3A_226 = tpu.memref_slice %arg3[%dma_wait3A_225, %mul3A_207] : memref<3x16384xi32, #tpu.memory_space<hbm>> -> memref<1x2048xi32, #tpu.memory_space<hbm>>
        %dma_wait3A_227 = arith.constant 1 : i32
        %dma_wait3A_228 = arith.constant 0 : i32
        %dma_wait3A_229 = tpu.memref_slice %arg10[%rem3A_209, %dma_wait3A_227, %dma_wait3A_228] : memref<2x4x2048xi32, #tpu.memory_space<vmem>> -> memref<1x1x2048xi32, #tpu.memory_space<vmem>>
        %dma_wait3A_230 = tpu.memref_squeeze %dma_wait3A_229 : memref<1x1x2048xi32, #tpu.memory_space<vmem>> -> memref<1x2048xi32, #tpu.memory_space<vmem>>
        %dma_wait3A_231 = arith.constant 1 : i32
        %dma_wait3A_232 = tpu.memref_slice %arg3[%dma_wait3A_231, %mul3A_207] : memref<3x16384xi32, #tpu.memory_space<hbm>> -> memref<1x2048xi32, #tpu.memory_space<hbm>>
        tpu.wait_dma2 semaphore(%arg12 : memref<!tpu.dma_semaphore, #tpu.memory_space<semaphore_mem>>) src(%dma_wait3A_232 : memref<1x2048xi32, #tpu.memory_space<hbm>>) dst(%dma_wait3A_230 : memref<1x2048xi32, #tpu.memory_space<vmem>>)
        %add3A_233 = arith.constant 1 : i32
        %add3A_234 = arith.addi %scan3A_203, %add3A_233 : i32
        %lt3A = arith.constant 8 : i32
        %lt3A_235 = arith.cmpi slt, %add3A_234, %lt3A : i32
        %convert_element_type3A_236 = arith.extui %lt3A_235 : i1 to i32
        %cond3A_237 = arith.constant 0 : i32
        %cond3A_238 = arith.cmpi ne, %convert_element_type3A_236, %cond3A_237 : i32
        scf.if %cond3A_238 {
          %add3A_269 = arith.constant 1 : i32
          %add3A_270 = arith.addi %scan3A_203, %add3A_269 : i32
          %mul3A_271 = arith.constant 2048 : i32
          %mul3A_272 = arith.muli %add3A_270, %mul3A_271 : i32
          %rem3A_273 = arith.constant 2 : i32
          %rem3A_274 = arith.remsi %add3A_270, %rem3A_273 : i32
          %dma_start3A_275 = arith.constant 0 : i32
          %dma_start3A_276 = arith.constant 0 : i32
          %dma_start3A_277 = tpu.memref_slice %arg10[%rem3A_274, %dma_start3A_275, %dma_start3A_276] : memref<2x4x2048xi32, #tpu.memory_space<vmem>> -> memref<1x1x2048xi32, #tpu.memory_space<vmem>>
          %dma_start3A_278 = tpu.memref_squeeze %dma_start3A_277 : memref<1x1x2048xi32, #tpu.memory_space<vmem>> -> memref<1x2048xi32, #tpu.memory_space<vmem>>
          %dma_start3A_279 = arith.constant 1 : i32
          %dma_start3A_280 = tpu.memref_slice %arg2[%dma_start3A_279, %mul3A_272] : memref<3x16384xi32, #tpu.memory_space<hbm>> -> memref<1x2048xi32, #tpu.memory_space<hbm>>
          %dma_start3A_281 = arith.constant 0 : i32
          %dma_start3A_282 = arith.constant 0 : i32
          %dma_start3A_283 = tpu.memref_slice %arg10[%rem3A_274, %dma_start3A_281, %dma_start3A_282] : memref<2x4x2048xi32, #tpu.memory_space<vmem>> -> memref<1x1x2048xi32, #tpu.memory_space<vmem>>
          %dma_start3A_284 = tpu.memref_squeeze %dma_start3A_283 : memref<1x1x2048xi32, #tpu.memory_space<vmem>> -> memref<1x2048xi32, #tpu.memory_space<vmem>>
          %dma_start3A_285 = arith.constant 1 : i32
          %dma_start3A_286 = tpu.memref_slice %arg2[%dma_start3A_285, %mul3A_272] : memref<3x16384xi32, #tpu.memory_space<hbm>> -> memref<1x2048xi32, #tpu.memory_space<hbm>>
          tpu.enqueue_dma source(%dma_start3A_286 : memref<1x2048xi32, #tpu.memory_space<hbm>>) target(%dma_start3A_284 : memref<1x2048xi32, #tpu.memory_space<vmem>>) target_semaphore(%arg12 : memref<!tpu.dma_semaphore, #tpu.memory_space<semaphore_mem>>)
          %dma_start3A_287 = arith.constant 1 : i32
          %dma_start3A_288 = arith.constant 0 : i32
          %dma_start3A_289 = tpu.memref_slice %arg10[%rem3A_274, %dma_start3A_287, %dma_start3A_288] : memref<2x4x2048xi32, #tpu.memory_space<vmem>> -> memref<1x1x2048xi32, #tpu.memory_space<vmem>>
          %dma_start3A_290 = tpu.memref_squeeze %dma_start3A_289 : memref<1x1x2048xi32, #tpu.memory_space<vmem>> -> memref<1x2048xi32, #tpu.memory_space<vmem>>
          %dma_start3A_291 = arith.constant 1 : i32
          %dma_start3A_292 = tpu.memref_slice %arg3[%dma_start3A_291, %mul3A_272] : memref<3x16384xi32, #tpu.memory_space<hbm>> -> memref<1x2048xi32, #tpu.memory_space<hbm>>
          %dma_start3A_293 = arith.constant 1 : i32
          %dma_start3A_294 = arith.constant 0 : i32
          %dma_start3A_295 = tpu.memref_slice %arg10[%rem3A_274, %dma_start3A_293, %dma_start3A_294] : memref<2x4x2048xi32, #tpu.memory_space<vmem>> -> memref<1x1x2048xi32, #tpu.memory_space<vmem>>
          %dma_start3A_296 = tpu.memref_squeeze %dma_start3A_295 : memref<1x1x2048xi32, #tpu.memory_space<vmem>> -> memref<1x2048xi32, #tpu.memory_space<vmem>>
          %dma_start3A_297 = arith.constant 1 : i32
          %dma_start3A_298 = tpu.memref_slice %arg3[%dma_start3A_297, %mul3A_272] : memref<3x16384xi32, #tpu.memory_space<hbm>> -> memref<1x2048xi32, #tpu.memory_space<hbm>>
          tpu.enqueue_dma source(%dma_start3A_298 : memref<1x2048xi32, #tpu.memory_space<hbm>>) target(%dma_start3A_296 : memref<1x2048xi32, #tpu.memory_space<vmem>>) target_semaphore(%arg12 : memref<!tpu.dma_semaphore, #tpu.memory_space<semaphore_mem>>)
        } else {
        }
        %rem3A_239 = arith.constant 2 : i32
        %rem3A_240 = arith.remsi %scan3A_203, %rem3A_239 : i32
        %mul3A_241 = arith.constant 2048 : i32
        %mul3A_242 = arith.muli %scan3A_203, %mul3A_241 : i32
        %rem3A_243 = arith.constant 2 : i32
        %rem3A_244 = arith.remsi %scan3A_203, %rem3A_243 : i32
        %eq3A_245 = arith.constant 0 : i32
        %eq3A_246 = arith.cmpi eq, %rem3A_244, %eq3A_245 : i32
        %convert_element_type3A_247 = arith.extui %eq3A_246 : i1 to i32
        %cond3A_248 = arith.constant 0 : i32
        %cond3A_249 = arith.cmpi ne, %convert_element_type3A_247, %cond3A_248 : i32
        scf.if %cond3A_249 {
          %dma_wait3A_269 = arith.constant 0 : i32
          %dma_wait3A_270 = arith.constant 0 : i32
          %dma_wait3A_271 = tpu.memref_slice %arg9[%rem3A_240, %dma_wait3A_269, %dma_wait3A_270] : memref<2x2x2048xf32, #tpu.memory_space<vmem>> -> memref<1x2x2048xf32, #tpu.memory_space<vmem>>
          %dma_wait3A_272 = arith.constant 0 : i32
          %dma_wait3A_273 = tpu.memref_slice %arg7[%add3A, %dma_wait3A_272, %mul3A_242] : memref<32x2x16384xf32, #tpu.memory_space<hbm>> -> memref<1x2x2048xf32, #tpu.memory_space<hbm>>
          %dma_wait3A_274 = arith.constant 0 : i32
          %dma_wait3A_275 = arith.constant 0 : i32
          %dma_wait3A_276 = tpu.memref_slice %arg9[%rem3A_240, %dma_wait3A_274, %dma_wait3A_275] : memref<2x2x2048xf32, #tpu.memory_space<vmem>> -> memref<1x2x2048xf32, #tpu.memory_space<vmem>>
          %dma_wait3A_277 = arith.constant 0 : i32
          %dma_wait3A_278 = tpu.memref_slice %arg7[%add3A, %dma_wait3A_277, %mul3A_242] : memref<32x2x16384xf32, #tpu.memory_space<hbm>> -> memref<1x2x2048xf32, #tpu.memory_space<hbm>>
          tpu.wait_dma2 semaphore(%arg13 : memref<!tpu.dma_semaphore, #tpu.memory_space<semaphore_mem>>) src(%dma_wait3A_278 : memref<1x2x2048xf32, #tpu.memory_space<hbm>>) dst(%dma_wait3A_276 : memref<1x2x2048xf32, #tpu.memory_space<vmem>>)
        } else {
        }
        %rem3A_250 = arith.constant 2 : i32
        %rem3A_251 = arith.remsi %scan3A_203, %rem3A_250 : i32
        %eq3A_252 = arith.constant 1 : i32
        %eq3A_253 = arith.cmpi eq, %rem3A_251, %eq3A_252 : i32
        %convert_element_type3A_254 = arith.extui %eq3A_253 : i1 to i32
        %cond3A_255 = arith.constant 0 : i32
        %cond3A_256 = arith.cmpi ne, %convert_element_type3A_254, %cond3A_255 : i32
        scf.if %cond3A_256 {
          %dma_wait3A_269 = arith.constant 0 : i32
          %dma_wait3A_270 = arith.constant 0 : i32
          %dma_wait3A_271 = tpu.memref_slice %arg9[%rem3A_240, %dma_wait3A_269, %dma_wait3A_270] : memref<2x2x2048xf32, #tpu.memory_space<vmem>> -> memref<1x2x2048xf32, #tpu.memory_space<vmem>>
          %dma_wait3A_272 = arith.constant 0 : i32
          %dma_wait3A_273 = tpu.memref_slice %arg7[%add3A, %dma_wait3A_272, %mul3A_242] : memref<32x2x16384xf32, #tpu.memory_space<hbm>> -> memref<1x2x2048xf32, #tpu.memory_space<hbm>>
          %dma_wait3A_274 = arith.constant 0 : i32
          %dma_wait3A_275 = arith.constant 0 : i32
          %dma_wait3A_276 = tpu.memref_slice %arg9[%rem3A_240, %dma_wait3A_274, %dma_wait3A_275] : memref<2x2x2048xf32, #tpu.memory_space<vmem>> -> memref<1x2x2048xf32, #tpu.memory_space<vmem>>
          %dma_wait3A_277 = arith.constant 0 : i32
          %dma_wait3A_278 = tpu.memref_slice %arg7[%add3A, %dma_wait3A_277, %mul3A_242] : memref<32x2x16384xf32, #tpu.memory_space<hbm>> -> memref<1x2x2048xf32, #tpu.memory_space<hbm>>
          tpu.wait_dma2 semaphore(%arg14 : memref<!tpu.dma_semaphore, #tpu.memory_space<semaphore_mem>>) src(%dma_wait3A_278 : memref<1x2x2048xf32, #tpu.memory_space<hbm>>) dst(%dma_wait3A_276 : memref<1x2x2048xf32, #tpu.memory_space<vmem>>)
        } else {
        }
        %rem3A_257 = arith.constant 2 : i32
        %rem3A_258 = arith.remsi %scan3A_203, %rem3A_257 : i32
        %parallel_loop3A = arith.constant 0 : i32
        %parallel_loop3A_259 = arith.constant 128 : i32
        %parallel_loop3A_260 = arith.constant 1 : i32
        %parallel_loop3A_261:2 = scf.for %parallel_loop3A_269 = %parallel_loop3A to %parallel_loop3A_259 step %parallel_loop3A_260 iter_args(%parallel_loop3A_270 = %scan3A_204, %parallel_loop3A_271 = %scan3A_205) -> (vector<16xf32>, vector<16xf32>)  : i32 {
          %parallel_loop3A_272 = arith.constant 16 : i32
          %parallel_loop3A_273 = arith.muli %parallel_loop3A_269, %parallel_loop3A_272 : i32
          %parallel_loop3A_274 = arith.constant 0 : i32
          %parallel_loop3A_275 = arith.index_cast %rem3A_258 : i32 to index
          %parallel_loop3A_276 = arith.index_cast %parallel_loop3A_274 : i32 to index
          %parallel_loop3A_277 = arith.index_cast %parallel_loop3A_273 : i32 to index
          %parallel_loop3A_278 = tpu.vector_load %arg10[%parallel_loop3A_275, %parallel_loop3A_276, %parallel_loop3A_277] {strides = array<i32>} : memref<2x4x2048xi32, #tpu.memory_space<vmem>>, vector<16xi32>,
          %parallel_loop3A_279 = arith.constant 1 : i32
          %parallel_loop3A_280 = arith.index_cast %rem3A_258 : i32 to index
          %parallel_loop3A_281 = arith.index_cast %parallel_loop3A_279 : i32 to index
          %parallel_loop3A_282 = arith.index_cast %parallel_loop3A_273 : i32 to index
          %parallel_loop3A_283 = tpu.vector_load %arg10[%parallel_loop3A_280, %parallel_loop3A_281, %parallel_loop3A_282] {strides = array<i32>} : memref<2x4x2048xi32, #tpu.memory_space<vmem>>, vector<16xi32>,
          %parallel_loop3A_284 = arith.constant 0 : i32
          %parallel_loop3A_285 = arith.index_cast %rem3A_258 : i32 to index
          %parallel_loop3A_286 = arith.index_cast %parallel_loop3A_284 : i32 to index
          %parallel_loop3A_287 = arith.index_cast %parallel_loop3A_273 : i32 to index
          %parallel_loop3A_288 = tpu.vector_load %arg9[%parallel_loop3A_285, %parallel_loop3A_286, %parallel_loop3A_287] {strides = array<i32>} : memref<2x2x2048xf32, #tpu.memory_space<vmem>>, vector<16xf32>,
          %parallel_loop3A_289 = tpu.vector_load_idx %arg8[%broadcast_in_dim3A_1, %parallel_loop3A_278] : memref<1x100000xf32, #tpu.memory_space<vmem>>[vector<16xi32>, vector<16xi32>], vector<16xf32>,
          %parallel_loop3A_290 = arith.addf %parallel_loop3A_288, %parallel_loop3A_289 : vector<16xf32>
          %parallel_loop3A_291 = arith.constant 1 : i32
          %parallel_loop3A_292 = arith.index_cast %rem3A_258 : i32 to index
          %parallel_loop3A_293 = arith.index_cast %parallel_loop3A_291 : i32 to index
          %parallel_loop3A_294 = arith.index_cast %parallel_loop3A_273 : i32 to index
          %parallel_loop3A_295 = tpu.vector_load %arg9[%parallel_loop3A_292, %parallel_loop3A_293, %parallel_loop3A_294] {strides = array<i32>} : memref<2x2x2048xf32, #tpu.memory_space<vmem>>, vector<16xf32>,
          %parallel_loop3A_296 = tpu.vector_load_idx %arg8[%broadcast_in_dim3A_1, %parallel_loop3A_283] : memref<1x100000xf32, #tpu.memory_space<vmem>>[vector<16xi32>, vector<16xi32>], vector<16xf32>,
          %parallel_loop3A_297 = arith.addf %parallel_loop3A_295, %parallel_loop3A_296 : vector<16xf32>
          %parallel_loop3A_298 = arith.mulf %parallel_loop3A_290, %parallel_loop3A_290 : vector<16xf32>
          %parallel_loop3A_299 = arith.addf %parallel_loop3A_270, %parallel_loop3A_298 : vector<16xf32>
          %parallel_loop3A_300 = arith.mulf %parallel_loop3A_297, %parallel_loop3A_297 : vector<16xf32>
          %parallel_loop3A_301 = arith.addf %parallel_loop3A_271, %parallel_loop3A_300 : vector<16xf32>
          scf.yield %parallel_loop3A_299, %parallel_loop3A_301 : vector<16xf32>, vector<16xf32>
        } {sc.loop_unroll_factor = 8 : i64, sc.parallel_access}
        %add3A_262 = arith.constant 2 : i32
        %add3A_263 = arith.addi %scan3A_203, %add3A_262 : i32
        %lt3A_264 = arith.constant 8 : i32
        %lt3A_265 = arith.cmpi slt, %add3A_263, %lt3A_264 : i32
        %convert_element_type3A_266 = arith.extui %lt3A_265 : i1 to i32
        %cond3A_267 = arith.constant 0 : i32
        %cond3A_268 = arith.cmpi ne, %convert_element_type3A_266, %cond3A_267 : i32
        scf.if %cond3A_268 {
          %add3A_269 = arith.constant 2 : i32
          %add3A_270 = arith.addi %scan3A_203, %add3A_269 : i32
          %rem3A_271 = arith.constant 2 : i32
          %rem3A_272 = arith.remsi %add3A_270, %rem3A_271 : i32
          %mul3A_273 = arith.constant 2048 : i32
          %mul3A_274 = arith.muli %add3A_270, %mul3A_273 : i32
          %rem3A_275 = arith.constant 2 : i32
          %rem3A_276 = arith.remsi %add3A_270, %rem3A_275 : i32
          %eq3A_277 = arith.constant 0 : i32
          %eq3A_278 = arith.cmpi eq, %rem3A_276, %eq3A_277 : i32
          %convert_element_type3A_279 = arith.extui %eq3A_278 : i1 to i32
          %cond3A_280 = arith.constant 0 : i32
          %cond3A_281 = arith.cmpi ne, %convert_element_type3A_279, %cond3A_280 : i32
          scf.if %cond3A_281 {
            %dma_start3A_289 = arith.constant 0 : i32
            %dma_start3A_290 = arith.constant 0 : i32
            %dma_start3A_291 = tpu.memref_slice %arg9[%rem3A_272, %dma_start3A_289, %dma_start3A_290] : memref<2x2x2048xf32, #tpu.memory_space<vmem>> -> memref<1x2x2048xf32, #tpu.memory_space<vmem>>
            %dma_start3A_292 = arith.constant 0 : i32
            %dma_start3A_293 = tpu.memref_slice %arg7[%add3A, %dma_start3A_292, %mul3A_274] : memref<32x2x16384xf32, #tpu.memory_space<hbm>> -> memref<1x2x2048xf32, #tpu.memory_space<hbm>>
            %dma_start3A_294 = arith.constant 0 : i32
            %dma_start3A_295 = arith.constant 0 : i32
            %dma_start3A_296 = tpu.memref_slice %arg9[%rem3A_272, %dma_start3A_294, %dma_start3A_295] : memref<2x2x2048xf32, #tpu.memory_space<vmem>> -> memref<1x2x2048xf32, #tpu.memory_space<vmem>>
            %dma_start3A_297 = arith.constant 0 : i32
            %dma_start3A_298 = tpu.memref_slice %arg7[%add3A, %dma_start3A_297, %mul3A_274] : memref<32x2x16384xf32, #tpu.memory_space<hbm>> -> memref<1x2x2048xf32, #tpu.memory_space<hbm>>
            tpu.enqueue_dma source(%dma_start3A_298 : memref<1x2x2048xf32, #tpu.memory_space<hbm>>) target(%dma_start3A_296 : memref<1x2x2048xf32, #tpu.memory_space<vmem>>) target_semaphore(%arg13 : memref<!tpu.dma_semaphore, #tpu.memory_space<semaphore_mem>>)
          } else {
          }
          %rem3A_282 = arith.constant 2 : i32
          %rem3A_283 = arith.remsi %add3A_270, %rem3A_282 : i32
          %eq3A_284 = arith.constant 1 : i32
          %eq3A_285 = arith.cmpi eq, %rem3A_283, %eq3A_284 : i32
          %convert_element_type3A_286 = arith.extui %eq3A_285 : i1 to i32
          %cond3A_287 = arith.constant 0 : i32
          %cond3A_288 = arith.cmpi ne, %convert_element_type3A_286, %cond3A_287 : i32
          scf.if %cond3A_288 {
            %dma_start3A_289 = arith.constant 0 : i32
            %dma_start3A_290 = arith.constant 0 : i32
            %dma_start3A_291 = tpu.memref_slice %arg9[%rem3A_272, %dma_start3A_289, %dma_start3A_290] : memref<2x2x2048xf32, #tpu.memory_space<vmem>> -> memref<1x2x2048xf32, #tpu.memory_space<vmem>>
            %dma_start3A_292 = arith.constant 0 : i32
            %dma_start3A_293 = tpu.memref_slice %arg7[%add3A, %dma_start3A_292, %mul3A_274] : memref<32x2x16384xf32, #tpu.memory_space<hbm>> -> memref<1x2x2048xf32, #tpu.memory_space<hbm>>
            %dma_start3A_294 = arith.constant 0 : i32
            %dma_start3A_295 = arith.constant 0 : i32
            %dma_start3A_296 = tpu.memref_slice %arg9[%rem3A_272, %dma_start3A_294, %dma_start3A_295] : memref<2x2x2048xf32, #tpu.memory_space<vmem>> -> memref<1x2x2048xf32, #tpu.memory_space<vmem>>
            %dma_start3A_297 = arith.constant 0 : i32
            %dma_start3A_298 = tpu.memref_slice %arg7[%add3A, %dma_start3A_297, %mul3A_274] : memref<32x2x16384xf32, #tpu.memory_space<hbm>> -> memref<1x2x2048xf32, #tpu.memory_space<hbm>>
            tpu.enqueue_dma source(%dma_start3A_298 : memref<1x2x2048xf32, #tpu.memory_space<hbm>>) target(%dma_start3A_296 : memref<1x2x2048xf32, #tpu.memory_space<vmem>>) target_semaphore(%arg14 : memref<!tpu.dma_semaphore, #tpu.memory_space<semaphore_mem>>)
          } else {
          }
        } else {
        }
        scf.yield %parallel_loop3A_261#0, %parallel_loop3A_261#1 : vector<16xf32>, vector<16xf32>
      }
      %scan3A_190 = arith.constant 8 : i32
      %swap3A = arith.constant 0 : i32
      %swap3A_191 = arith.constant 0 : i32
      %swap3A_192 = arith.index_cast %swap3A : i32 to index
      %swap3A_193 = arith.index_cast %swap3A_191 : i32 to index
      %swap3A_194 = arith.constant 0 : index
      %swap3A_195 = tpu.vector_load %arg11[%swap3A_192, %swap3A_193, %swap3A_194] {strides = array<i32>} : memref<2x1x128xf32, #tpu.memory_space<vmem>>, vector<16xf32>,
      tpu.vector_store %arg11[%swap3A_192, %swap3A_193, %swap3A_194], %scan3A_189#0 {strides = array<i32>} : memref<2x1x128xf32, #tpu.memory_space<vmem>>, vector<16xf32>,
      "tpu.region"() ({
        %run_scoped3A = tpu.sem_alloc : memref<!tpu.dma_semaphore, #tpu.memory_space<semaphore_mem>>
        %dma_start3A_203 = arith.constant 0 : i32
        %dma_start3A_204 = arith.constant 0 : i32
        %dma_start3A_205 = arith.constant 0 : i32
        %dma_start3A_206 = tpu.memref_slice %arg11[%dma_start3A_203, %dma_start3A_204, %dma_start3A_205] : memref<2x1x128xf32, #tpu.memory_space<vmem>> -> memref<1x1x128xf32, #tpu.memory_space<vmem>>
        %dma_start3A_207 = arith.constant 0 : i32
        %dma_start3A_208 = arith.constant 0 : i32
        %dma_start3A_209 = tpu.memref_slice %arg6[%dma_start3A_207, %add3A_12, %dma_start3A_208] : memref<2x64x128xf32, #tpu.memory_space<hbm>> -> memref<1x1x128xf32, #tpu.memory_space<hbm>>
        %dma_start3A_210 = arith.constant 0 : i32
        %dma_start3A_211 = arith.constant 0 : i32
        %dma_start3A_212 = tpu.memref_slice %arg6[%dma_start3A_210, %add3A_12, %dma_start3A_211] : memref<2x64x128xf32, #tpu.memory_space<hbm>> -> memref<1x1x128xf32, #tpu.memory_space<hbm>>
        %dma_start3A_213 = arith.constant 0 : i32
        %dma_start3A_214 = arith.constant 0 : i32
        %dma_start3A_215 = arith.constant 0 : i32
        %dma_start3A_216 = tpu.memref_slice %arg11[%dma_start3A_213, %dma_start3A_214, %dma_start3A_215] : memref<2x1x128xf32, #tpu.memory_space<vmem>> -> memref<1x1x128xf32, #tpu.memory_space<vmem>>
        tpu.enqueue_dma source(%dma_start3A_216 : memref<1x1x128xf32, #tpu.memory_space<vmem>>) target(%dma_start3A_212 : memref<1x1x128xf32, #tpu.memory_space<hbm>>) target_semaphore(%run_scoped3A : memref<!tpu.dma_semaphore, #tpu.memory_space<semaphore_mem>>)
        %dma_wait3A = arith.constant 0 : i32
        %dma_wait3A_217 = arith.constant 0 : i32
        %dma_wait3A_218 = arith.constant 0 : i32
        %dma_wait3A_219 = tpu.memref_slice %arg11[%dma_wait3A, %dma_wait3A_217, %dma_wait3A_218] : memref<2x1x128xf32, #tpu.memory_space<vmem>> -> memref<1x1x128xf32, #tpu.memory_space<vmem>>
        %dma_wait3A_220 = arith.constant 0 : i32
        %dma_wait3A_221 = arith.constant 0 : i32
        %dma_wait3A_222 = tpu.memref_slice %arg6[%dma_wait3A_220, %add3A_12, %dma_wait3A_221] : memref<2x64x128xf32, #tpu.memory_space<hbm>> -> memref<1x1x128xf32, #tpu.memory_space<hbm>>
        %dma_wait3A_223 = arith.constant 0 : i32
        %dma_wait3A_224 = arith.constant 0 : i32
        %dma_wait3A_225 = tpu.memref_slice %arg6[%dma_wait3A_223, %add3A_12, %dma_wait3A_224] : memref<2x64x128xf32, #tpu.memory_space<hbm>> -> memref<1x1x128xf32, #tpu.memory_space<hbm>>
        %dma_wait3A_226 = arith.constant 0 : i32
        %dma_wait3A_227 = arith.constant 0 : i32
        %dma_wait3A_228 = arith.constant 0 : i32
        %dma_wait3A_229 = tpu.memref_slice %arg11[%dma_wait3A_226, %dma_wait3A_227, %dma_wait3A_228] : memref<2x1x128xf32, #tpu.memory_space<vmem>> -> memref<1x1x128xf32, #tpu.memory_space<vmem>>
        tpu.wait_dma2 semaphore(%run_scoped3A : memref<!tpu.dma_semaphore, #tpu.memory_space<semaphore_mem>>) src(%dma_wait3A_229 : memref<1x1x128xf32, #tpu.memory_space<vmem>>) dst(%dma_wait3A_225 : memref<1x1x128xf32, #tpu.memory_space<hbm>>)
        tpu.yield
      }) : () -> ()
      %swap3A_196 = arith.constant 1 : i32
      %swap3A_197 = arith.constant 0 : i32
      %swap3A_198 = arith.index_cast %swap3A_196 : i32 to index
      %swap3A_199 = arith.index_cast %swap3A_197 : i32 to index
      %swap3A_200 = arith.constant 0 : index
      %swap3A_201 = tpu.vector_load %arg11[%swap3A_198, %swap3A_199, %swap3A_200] {strides = array<i32>} : memref<2x1x128xf32, #tpu.memory_space<vmem>>, vector<16xf32>,
      tpu.vector_store %arg11[%swap3A_198, %swap3A_199, %swap3A_200], %scan3A_189#1 {strides = array<i32>} : memref<2x1x128xf32, #tpu.memory_space<vmem>>, vector<16xf32>,
      "tpu.region"() ({
        %run_scoped3A = tpu.sem_alloc : memref<!tpu.dma_semaphore, #tpu.memory_space<semaphore_mem>>
        %dma_start3A_203 = arith.constant 1 : i32
        %dma_start3A_204 = arith.constant 0 : i32
        %dma_start3A_205 = arith.constant 0 : i32
        %dma_start3A_206 = tpu.memref_slice %arg11[%dma_start3A_203, %dma_start3A_204, %dma_start3A_205] : memref<2x1x128xf32, #tpu.memory_space<vmem>> -> memref<1x1x128xf32, #tpu.memory_space<vmem>>
        %dma_start3A_207 = arith.constant 1 : i32
        %dma_start3A_208 = arith.constant 0 : i32
        %dma_start3A_209 = tpu.memref_slice %arg6[%dma_start3A_207, %add3A_12, %dma_start3A_208] : memref<2x64x128xf32, #tpu.memory_space<hbm>> -> memref<1x1x128xf32, #tpu.memory_space<hbm>>
        %dma_start3A_210 = arith.constant 1 : i32
        %dma_start3A_211 = arith.constant 0 : i32
        %dma_start3A_212 = tpu.memref_slice %arg6[%dma_start3A_210, %add3A_12, %dma_start3A_211] : memref<2x64x128xf32, #tpu.memory_space<hbm>> -> memref<1x1x128xf32, #tpu.memory_space<hbm>>
        %dma_start3A_213 = arith.constant 1 : i32
        %dma_start3A_214 = arith.constant 0 : i32
        %dma_start3A_215 = arith.constant 0 : i32
        %dma_start3A_216 = tpu.memref_slice %arg11[%dma_start3A_213, %dma_start3A_214, %dma_start3A_215] : memref<2x1x128xf32, #tpu.memory_space<vmem>> -> memref<1x1x128xf32, #tpu.memory_space<vmem>>
        tpu.enqueue_dma source(%dma_start3A_216 : memref<1x1x128xf32, #tpu.memory_space<vmem>>) target(%dma_start3A_212 : memref<1x1x128xf32, #tpu.memory_space<hbm>>) target_semaphore(%run_scoped3A : memref<!tpu.dma_semaphore, #tpu.memory_space<semaphore_mem>>)
        %dma_wait3A = arith.constant 1 : i32
        %dma_wait3A_217 = arith.constant 0 : i32
        %dma_wait3A_218 = arith.constant 0 : i32
        %dma_wait3A_219 = tpu.memref_slice %arg11[%dma_wait3A, %dma_wait3A_217, %dma_wait3A_218] : memref<2x1x128xf32, #tpu.memory_space<vmem>> -> memref<1x1x128xf32, #tpu.memory_space<vmem>>
        %dma_wait3A_220 = arith.constant 1 : i32
        %dma_wait3A_221 = arith.constant 0 : i32
        %dma_wait3A_222 = tpu.memref_slice %arg6[%dma_wait3A_220, %add3A_12, %dma_wait3A_221] : memref<2x64x128xf32, #tpu.memory_space<hbm>> -> memref<1x1x128xf32, #tpu.memory_space<hbm>>
        %dma_wait3A_223 = arith.constant 1 : i32
        %dma_wait3A_224 = arith.constant 0 : i32
        %dma_wait3A_225 = tpu.memref_slice %arg6[%dma_wait3A_223, %add3A_12, %dma_wait3A_224] : memref<2x64x128xf32, #tpu.memory_space<hbm>> -> memref<1x1x128xf32, #tpu.memory_space<hbm>>
        %dma_wait3A_226 = arith.constant 1 : i32
        %dma_wait3A_227 = arith.constant 0 : i32
        %dma_wait3A_228 = arith.constant 0 : i32
        %dma_wait3A_229 = tpu.memref_slice %arg11[%dma_wait3A_226, %dma_wait3A_227, %dma_wait3A_228] : memref<2x1x128xf32, #tpu.memory_space<vmem>> -> memref<1x1x128xf32, #tpu.memory_space<vmem>>
        tpu.wait_dma2 semaphore(%run_scoped3A : memref<!tpu.dma_semaphore, #tpu.memory_space<semaphore_mem>>) src(%dma_wait3A_229 : memref<1x1x128xf32, #tpu.memory_space<vmem>>) dst(%dma_wait3A_225 : memref<1x1x128xf32, #tpu.memory_space<hbm>>)
        tpu.yield
      }) : () -> ()
      %scan3A_202 = arith.constant 0 : i32
      scf.yield %scan3A_202 : i32
    }
    %scan3A_7 = arith.constant 2 : i32
    return
  }
}

module attributes {stable_mosaic.version = 14 : i64} {
  func.func @body(%arg0: memref<2x64x128xf32, #tpu.memory_space<vmem>>, %arg1: memref<1x1xf32, #tpu.memory_space<vmem>>) attributes {dimension_semantics = [], scalar_prefetch = 0 : i64, scratch_operands = 0 : i64, tpu.core_type = #tpu.core_type<tc>} {
    %get3A = arith.constant 0 : index
    %get3A_0 = arith.constant 0 : index
    %get3A_1 = arith.constant 0 : index
    %get3A_2 = vector.load %arg0[%get3A, %get3A_0, %get3A_1] : memref<2x64x128xf32, #tpu.memory_space<vmem>>, vector<2x64x16xf32>
    %reduce_sum3A = arith.constant dense<0.000000e+00> : vector<2x64xf32>
    %reduce_sum3A_3 = vector.multi_reduction <add>, %get3A_2, %reduce_sum3A [2] : vector<2x64x16xf32> to vector<2x64xf32>
    %sqrt3A = math.sqrt %reduce_sum3A_3 : vector<2x64xf32>
    %slice3A = vector.extract_strided_slice %sqrt3A {offsets = [0, 0], sizes = [1, 64], strides = [1, 1]} : vector<2x64xf32> to vector<1x64xf32>
    %slice3A_4 = vector.extract_strided_slice %sqrt3A {offsets = [1, 0], sizes = [1, 64], strides = [1, 1]} : vector<2x64xf32> to vector<1x64xf32>
    %sub3A = arith.subf %slice3A, %slice3A_4 : vector<1x64xf32>
    %add3A = arith.constant 1.000000e+00 : f32
    %add3A_5 = vector.broadcast %add3A : f32 to vector<1x64xf32>
    %add3A_6 = arith.addf %sub3A, %add3A_5 : vector<1x64xf32>
    %max3A = arith.constant 0.000000e+00 : f32
    %max3A_7 = vector.broadcast %max3A : f32 to vector<1x64xf32>
    %max3A_8 = arith.maximumf %add3A_6, %max3A_7 : vector<1x64xf32>
    %reduce_sum3A_9 = arith.constant dense<0.000000e+00> : vector<1xf32>
    %reduce_sum3A_10 = vector.multi_reduction <add>, %max3A_8, %reduce_sum3A_9 [1] : vector<1x64xf32> to vector<1xf32>
    %broadcast_in_dim3A = vector.shape_cast %reduce_sum3A_10 : vector<1xf32> to vector<1x1xf32>
    %mul3A = arith.constant 1.562500e-02 : f32
    %mul3A_11 = vector.broadcast %mul3A : f32 to vector<1x1xf32>
    %mul3A_12 = arith.mulf %broadcast_in_dim3A, %mul3A_11 : vector<1x1xf32>
    %swap3A = arith.constant 0 : index
    %swap3A_13 = arith.constant 0 : index
    %swap3A_14 = vector.load %arg1[%swap3A, %swap3A_13] : memref<1x1xf32, #tpu.memory_space<vmem>>, vector<1x1xf32>
    tpu.vector_store %arg1[%swap3A, %swap3A_13], %mul3A_12 {strides = array<i32>} : memref<1x1xf32, #tpu.memory_space<vmem>>, vector<1x1xf32>,
    return
  }
}

</mosaic_0001>

<sc_bundles>
// kernel: kernel.4.cloned.1.call-start
scs
__scs_entry_jumppad:
0x0: {  	(pc) =	sbr.rel $0x88, $3  }
0x1: {  	(tag) =	ssettag $0x0;
	lr =	simm.s32 $0x1  }
0x2: {  	[smem:$0x3F9D] =	sst lr;
	_ =	strace $0xD0000000  }
0x3: {  	_ = 	snop  }
0x4: {  	_ = 	snop  }
0x5: {  	_ = 	snop  }
0x6: {  	_ = 	snop  }
0x7: {  	_ = 	snop  }
__scs_overlays_trampoline_lowered:
0x8: {  	[smem:$0x3FAC] =	sst s0  }
0x9: {  	[smem:$0x3FAD] =	sst s1  }
0xa: {  	[smem:$0x3FAE] =	sst s2  }
0xb: {  	[smem:$0x3FAF] =	sst s3  }
0xc: {  	[smem:$0x3FB0] =	sst s4  }
0xd: {  	[smem:$0x3FB1] =	sst s5  }
0xe: {  	[smem:$0x3FB2] =	sst s6  }
0xf: {  	[smem:$0x3FB3] =	sst s7  }
0x10: {  	[smem:$0x3FB4] =	sst s8  }
0x11: {  	[smem:$0x3FB5] =	sst s9;
	s0 =	simm.s32 @!p0 $0x0  }
0x12: {  	s1 =	sld [smem:$0x3F9B];
	s0 =	simm.s32 @p0 $0x1  }
0x13: {  	[smem:$0x3FB6] =	sst s0;
	s0 =	simm.s32 @!p1 $0x0  }
0x14: {  	s2 =	sld [smem:$0x3F9A];
	s0 =	simm.s32 @p1 $0x1  }
0x15: {  	[smem:$0x3FB7] =	sst s0;
	s0 =	simm.s32 @!p2 $0x0  }
0x16: {  	s3 =	sld [smem:$0x3FDB];
	s0 =	simm.s32 @p2 $0x1  }
0x17: {  	s4 =	simm.s32 $0x1BF5;
	[smem:$0x3FB9] =	sst s0  }
0x18: {  	s0 =	sld [smem:$0x3F9C];
	_ =	swait.ge [sflag:s4], $0x0  }
0x19: {  	s7 =	sld [smem:$0x3F9D]  }
0x1a: {  	s8 =	sadd.s32 $0xFFFFE003, lr  }
0x1b: {  	s9 =	sadd.s32 $0xFFFFFEF7, lr;
	s5 =	simm.s32 $0xFFFFFFFF;
	p2 =	slt.u32 s8, $0xFFFFF086  }
0x1c: {  	p1 =	slt.u32 s9, $0xF7A;
	s5 =	simm.s32 @!p2 $0x0  }
0x1d: {  	s5 =	simm.s32 @p1 $0x1;
	p0 =	seq.s32 s7, s2  }
0x1e: {  	s7 =	smul.u32 @!p0 $0xF7A, s2;
	p2 =	seq.s32 @!p0 s5, $0x0  }
0x1f: {  	s9 =	smul.u32 $0xF7A, s1;
	s8 =	simm.s32 @!p0 $0x1BF5;
	p2 =	por !p2, p0  }
0x20: {  	[sflag:s8] =	ssyncset.s32 @!p0 $0xFFFFF086;
	s6 =	sadd.s32 @!p0 s3, s7;
	s7 =	simm.s32 @!p0 $0x108  }
0x21: {  	s3 =	sadd.s32 s3, s9;
	s6 =	sadd.s32 @!p0 $0x88, s6;
	s7 =	simm.s32 @p2 $0x1082  }
0x22: {  	[simem:s7], [sflag:s8] =	dma.local @!p0 [hbm:s6], $0xF7A  }
0x23: {  	s9 =	sor.u32 $0xD0000000, s2;
	s6 =	simm.s32 $0x108;
	_ =	swait.ge @!p0 [sflag:s8], $0x0  }
0x24: {  	s3 =	sadd.s32 $0x88, s3;
	s6 =	simm.s32 @!p1 $0x1082;
	[sflag:s4] =	ssyncset.s32 $0xFFFFF086  }
0x25: {  	[simem:s6], [sflag:s4] =	dma.local [hbm:s3], $0xF7A  }
0x26: {  	[smem:$0x3F9D] =	sst s1;
	(tag) =	ssettag s2;
	_ =	strace s9  }
0x27: {  	s1 =	sld [smem:$0x3FAD]  }
0x28: {  	s2 =	sld [smem:$0x3FAE]  }
0x29: {  	s4 =	sld [smem:$0x3FB0]  }
0x2a: {  	p0 =	seq.s32 s5, $0x0;
	s5 =	sld [smem:$0x3FB1]  }
0x2b: {  	s6 =	sld [smem:$0x3FB2]  }
0x2c: {  	s7 =	sld [smem:$0x3FB3]  }
0x2d: {  	s3 =	simm.s32 $0x108;
	s8 =	sld [smem:$0x3FB4]  }
0x2e: {  	s3 =	simm.s32 @!p0 $0x1082;
	s9 =	sld [smem:$0x3FB5]  }
0x2f: {  	lr =	sadd.s32 s0, s3;
	s0 =	sld [smem:$0x3FAC]  }
0x30: {  	s3 =	sld [smem:$0x3FAF]  }
0x31: {  	[smem:$0x3FB8] =	sst s10  }
0x32: {  	s10 =	sld [smem:$0x3FB6];
	_ =	sdelay $0x3  }
0x33: {  	p0 =	seq.s32 s10, $0x1;
	s10 =	sld [smem:$0x3FB8];
	_ =	sdelay $0x3  }
0x34: {  	[smem:$0x3FB8] =	sst s10  }
0x35: {  	s10 =	sld [smem:$0x3FB7];
	_ =	sdelay $0x3  }
0x36: {  	p1 =	seq.s32 s10, $0x1;
	s10 =	sld [smem:$0x3FB8];
	_ =	sdelay $0x3  }
0x37: {  	[smem:$0x3FB8] =	sst s10  }
0x38: {  	s10 =	sld [smem:$0x3FB9]  }
0x39: {  	_ = 	snop;
	(pc) =	sbr.ind lr, $3  }
0x3a: {  	_ = 	snop  }
0x3b: {  	_ = 	snop  }
0x3c: {  	p2 =	seq.s32 s10, $0x1;
	s10 =	sld [smem:$0x3FB8]  }
0x3d: {  	_ =	shalt  }
0x3e: {  	_ =	shalt  }
0x3f: {  	_ =	shalt  }
0x40: {  	_ =	shalt  }
0x41: {  	_ =	shalt  }
0x42: {  	_ =	shalt  }
0x43: {  	_ =	shalt  }
0x44: {  	_ =	shalt  }
0x45: {  	_ =	shalt  }
0x46: {  	_ =	shalt  }
0x47: {  	_ =	shalt  }
0x48: {  	_ =	shalt  }
0x49: {  	_ =	shalt  }
0x4a: {  	_ =	shalt  }
0x4b: {  	_ =	shalt  }
0x4c: {  	_ =	shalt  }
0x4d: {  	_ =	shalt  }
0x4e: {  	_ =	shalt  }
0x4f: {  	_ =	shalt  }
0x50: {  	_ =	shalt  }
0x51: {  	_ =	shalt  }
0x52: {  	_ =	shalt  }
0x53: {  	_ =	shalt  }
0x54: {  	_ =	shalt  }
0x55: {  	_ =	shalt  }
0x56: {  	_ =	shalt  }
0x57: {  	_ =	shalt  }
0x58: {  	_ =	shalt  }
0x59: {  	_ =	shalt  }
0x5a: {  	_ =	shalt  }
0x5b: {  	_ =	shalt  }
0x5c: {  	_ =	shalt  }
0x5d: {  	_ =	shalt  }
0x5e: {  	_ =	shalt  }
0x5f: {  	_ =	shalt  }
0x60: {  	_ =	shalt  }
0x61: {  	_ =	shalt  }
0x62: {  	_ =	shalt  }
0x63: {  	_ =	shalt  }
0x64: {  	_ =	shalt  }
0x65: {  	_ =	shalt  }
0x66: {  	_ =	shalt  }
0x67: {  	_ =	shalt  }
0x68: {  	_ =	shalt  }
0x69: {  	_ =	shalt  }
0x6a: {  	_ =	shalt  }
0x6b: {  	_ =	shalt  }
0x6c: {  	_ =	shalt  }
0x6d: {  	_ =	shalt  }
0x6e: {  	_ =	shalt  }
0x6f: {  	_ =	shalt  }
0x70: {  	_ =	shalt  }
0x71: {  	_ =	shalt  }
0x72: {  	_ =	shalt  }
0x73: {  	_ =	shalt  }
0x74: {  	_ =	shalt  }
0x75: {  	_ =	shalt  }
0x76: {  	_ =	shalt  }
0x77: {  	_ =	shalt  }
0x78: {  	_ =	shalt  }
0x79: {  	_ =	shalt  }
0x7a: {  	_ =	shalt  }
0x7b: {  	_ =	shalt  }
0x7c: {  	_ =	shalt  }
0x7d: {  	_ =	shalt  }
0x7e: {  	_ =	shalt  }
0x7f: {  	_ =	shalt  }
0x80: {  	_ =	shalt  }
0x81: {  	_ =	shalt  }
0x82: {  	_ =	shalt  }
0x83: {  	_ =	shalt  }
0x84: {  	_ =	shalt  }
0x85: {  	_ =	shalt  }
0x86: {  	_ =	shalt  }
0x87: {  	_ =	shalt  }
.Lfunc_end0:
.L_simem_size_0:
called_computation_lowered:
.L_overlay_start_0:
0x88: {  	s2 =	sld [smem:$0x3FD9]  }
0x89: {  	s3 =	sld [smem:$0x3FFE];
	_ =	sdelay $0x1  }
0x8a: {  	s1 =	srdreg.scid  }
0x8b: {  	s0 =	sand.u32 $0x1, s1  }
0x8c: {  	s17 =	sshll.u32 s0, $0xA;
	s2 =	sadd.s32 s3, s2  }
0x8d: {  	s2 =	sadd.s32 s2, s17  }
0x8e: {  	[smem:$0x3FC4] =	sst s2  }
0x8f: {  	_ = 	snop  }
0x90: {  	s2 =	sld [smem:$0x3FC9]  }
0x91: {  	s18 =	sld [smem:$0x3FC8]  }
0x92: {  	s4 =	sld [smem:$0x3FC7]  }
0x93: {  	s5 =	sld [smem:$0x3FC6];
	(tm) =	ssettm $0x1  }
0x94: {  	s6 =	sld [smem:$0x3FFB];
	_ =	sdelay $0x3  }
0x95: {  	_ =	strace s6  }
0x96: {  	s6 =	sld [smem:$0x3FFC];
	_ =	sdelay $0x3  }
0x97: {  	_ =	strace s6  }
0x98: {  	s6 =	sld [smem:$0x3FFD];
	_ =	sdelay $0x3  }
0x99: {  	_ =	strace s6  }
0x9a: {  	_ =	strace $0x8FFFFFFF  }
0x9b: {  	s19 =	sld [smem:$0x3FDB];
	_ =	sdelay $0x1  }
0x9c: {  	s7 =	simm.s32 $_scs_section_size  }
0x9d: {  	s8 =	simm.s32 $_size__tile_overlayer_lowered;
	s9 =	simm.s32 $_tile_overlayer_lowered  }
0x9e: {  	s22 =	simm.s32 $0x1BFF;
	s21 =	sshll.u32 s9, $0x1;
	s6 =	sadd.s32 s7, s19  }
0x9f: {  	s10 =	simm.s32 $0x0;
	s20 =	sshll.u32 s8, $0x1;
	s8 =	sadd.s32 s21, s6  }
0xa0: {  	[timem:s10], [sflag:s22] =	dma.local [hbm:s8], s20  }
0xa1: {  	_ =	swait.ge [sflag:s22], s20  }
0xa2: {  	s7 =	ssub.s32 $0x0, s20;
	[sflag:s22] =	ssyncset.done $0x0  }
0xa3: {  	[sflag:s22] =	ssyncadd.s32 s7;
	_ =	sdelay $0x1  }
0xa4: {  	s23 =	simm.s32 $0x1B8B  }
0xa5: {  	_ =	swait.ge [sflag:s23], $0x1  }
0xa6: {  	[sflag:s23] =	ssyncset.done $0x0  }
0xa7: {  	s25 =	simm.s32 $0x1B8E;
	s24 =	sld [smem:$0x3FFE];
	[sflag:s23] =	ssyncadd.s32 $0xFFFFFFFF  }
0xa8: {  	s26 =	simm.s32 $execute0_lowered;
	[smem:$0x3FD2] =	sst s25  }
0xa9: {  	s8 =	sshll.u32 s26, $0x1;
	_ =	strace $0x80000046;
	[dreg:$0x1] =	wrdreg $0xFFFFFFFF  }
0xaa: {  	s28 =	simm.s32 $_size_execute0_lowered;
	s6 =	sadd.s32 s6, s8;
	[dreg:$0x0] =	wrdreg $0x0  }
0xab: {  	s8 =	sshll.u32 s28, $0x1;
	[dreg:$0x2] =	wrdreg s6  }
0xac: {  	[dreg:$0x3] =	wrdreg s8  }
0xad: {  	[dreg:$0x4] =	wrdreg $0xC0  }
0xae: {  	_ =	task [dreg:s10], $0x5FFFF  }
0xaf: {  	[dreg:$0x1] =	wrdreg $0xFFFFFFFF  }
0xb0: {  	[dreg:$0x0] =	wrdreg $0x60  }
0xb1: {  	[dreg:$0x2] =	wrdreg s2  }
0xb2: {  	[dreg:$0x3] =	wrdreg s18  }
0xb3: {  	[dreg:$0x4] =	wrdreg s4  }
0xb4: {  	[dreg:$0x5] =	wrdreg s5  }
0xb5: {  	[dreg:$0x6] =	wrdreg s24  }
0xb6: {  	[dreg:$0x7] =	wrdreg $0x9  }
0xb7: {  	_ =	task.clear_ibuf [dreg:s10], $0x8FFFF;
	_ =	strace $0x90000046  }
0xb8: {  	s29 =	simm.s32 $0x9;
	_ =	strace $0x80000048  }
0xb9: {  	_ =	swait.ge [sflag:s29], $0x1  }
0xba: {  	[sflag:s29] =	ssyncadd.s32 $0xFFFFFFFF  }
0xbb: {  	_ =	strace $0x90000048  }
0xbc: {  	_ =	sfence  }
0xbd: {  	s30 =	sld [smem:$0x0];
	_ =	sdelay $0x2  }
0xbe: {  	s31 =	sshll.u32 s1, $0xD;
	s1 =	sshrl.u32 s1, $0x2  }
0xbf: {  	s3 =	sand.u32 $0x4000, s31;
	s1 =	sadd.s32 s1, s30  }
0xc0: {  	s0 =	sor.u32 s3, s0;
	s1 =	sshll.u32 s1, $0x11  }
0xc1: {  	s0 =	sor.u32 s1, s0  }
0xc2: {  	s0 =	sadd.s32 $0x8F2B, s0  }
0xc3: {  	[sflag:s0] =	ssyncadd.remote.s32 $0x1  }
0xc4: {  	_ =	sfence.sel $0xFFFF  }
0xc5: {  	[dreg:$0x0] =	wrdreg $0xFFFFFFFF;
	(pc) =	sbr.abs _section_cstart, $3  }
0xc6: {  	[dreg:$0x1] =	wrdreg $0xFFFFFFFF  }
0xc7: {  	_ =	task.clear_ibuf [dreg:s10], $0x2FFFF;
	_ =	strace $0x9FFFFFFF  }
0xc8: {  	(tm) =	ssettm $0x7FFFFFFF  }
0xc9: {  	_ =	shalt  }
tec
execute0_lowered:
.L_overlay_start_1:
0x0: {  	(tag) =	ssettag $0x1  }
0x1: {  	s1 =	rddreg [dreg:$0x0]  }
0x2: {  	s2 =	rddreg [dreg:$0x1]  }
0x3: {  	s0 =	rddreg [dreg:$0x4];
	s6 =	simm.s32 $0x0;
	s4 =	stileid.u32  }
0x4: {  	[smem:$0x7FF] =	sst s6;
	s4 =	sshll.u32 s4, $0x1  }
0x5: {  	s26 =	sadd.s32 $0x20, s1;
	_ =	strace $0x80000047;
	[dreg:$0x6] =	wrdreg s4  }
0x6: {  	s29 =	sadd.s32 $0x20, s2;
	[dreg:$0x7] =	wrdreg s26  }
0x7: {  	s31 =	sadd.s32 $0x40, s1;
	[dreg:$0x8] =	wrdreg s29  }
0x8: {  	s9 =	sadd.s32 $0x140, s1;
	[dreg:$0xb] =	wrdreg s31  }
0x9: {  	s10 =	sadd.s32 $0x180, s1;
	[dreg:$0xf] =	wrdreg s9  }
0xa: {  	s15 =	sadd.s32 $0x1C0, s1;
	[dreg:$0x10] =	wrdreg s10  }
0xb: {  	s16 =	sadd.s32 $0x200, s1;
	[dreg:$0x11] =	wrdreg s15  }
0xc: {  	s17 =	sadd.s32 $0x240, s1;
	[dreg:$0x12] =	wrdreg s16  }
0xd: {  	s18 =	sadd.s32 $0x280, s1;
	[dreg:$0x13] =	wrdreg s17  }
0xe: {  	s19 =	sadd.s32 $0x2C0, s1;
	[dreg:$0x14] =	wrdreg s18  }
0xf: {  	s20 =	sadd.s32 $0x300, s1;
	[dreg:$0x15] =	wrdreg s19  }
0x10: {  	s21 =	sadd.s32 $0x340, s1;
	[dreg:$0x16] =	wrdreg s20  }
0x11: {  	s22 =	sadd.s32 $0x380, s1;
	[dreg:$0x17] =	wrdreg s21  }
0x12: {  	s23 =	sadd.s32 $0x3C0, s1;
	[dreg:$0x18] =	wrdreg s22  }
0x13: {  	s24 =	sadd.s32 $0x60, s1;
	[dreg:$0x19] =	wrdreg s23  }
0x14: {  	[dreg:$0x1a] =	wrdreg s24;
	s26 =	sadd.s32 $0xA0, s1  }
0x15: {  	s29 =	sadd.s32 $0xE0, s1;
	[dreg:$0x1b] =	wrdreg s26  }
0x16: {  	s31 =	sadd.s32 $0x160, s1;
	[dreg:$0x1c] =	wrdreg s29  }
0x17: {  	s9 =	sadd.s32 $0x2A0, s1;
	[dreg:$0x1e] =	wrdreg s31  }
0x18: {  	s10 =	sadd.s32 $0x2E0, s1;
	[smem:$0x7DA] =	sst s9  }
0x19: {  	s15 =	sadd.s32 $0x320, s1;
	[smem:$0x7DB] =	sst s10  }
0x1a: {  	s16 =	sadd.s32 $0x360, s1;
	[smem:$0x7DC] =	sst s15  }
0x1b: {  	s17 =	sadd.s32 $0x3A0, s1;
	[smem:$0x7DD] =	sst s16  }
0x1c: {  	s18 =	sadd.s32 $0x3E0, s1;
	[smem:$0x7DE] =	sst s17  }
0x1d: {  	s19 =	sadd.s32 $0x40, s2;
	[smem:$0x7DF] =	sst s18  }
0x1e: {  	s20 =	sadd.s32 $0x80, s2;
	[smem:$0x7E0] =	sst s19  }
0x1f: {  	s21 =	sadd.s32 $0xC0, s2;
	[smem:$0x7E1] =	sst s20  }
0x20: {  	s22 =	sadd.s32 $0x100, s2;
	[smem:$0x7E2] =	sst s21  }
0x21: {  	s23 =	sadd.s32 $0x140, s2;
	[smem:$0x7E3] =	sst s22  }
0x22: {  	s24 =	sadd.s32 $0x180, s2;
	[smem:$0x7E4] =	sst s23  }
0x23: {  	[smem:$0x7E5] =	sst s24;
	s26 =	sadd.s32 $0x1C0, s2  }
0x24: {  	s29 =	sadd.s32 $0x200, s2;
	[smem:$0x7E6] =	sst s26  }
0x25: {  	s31 =	sadd.s32 $0x280, s2;
	[smem:$0x7E7] =	sst s29  }
0x26: {  	s9 =	sadd.s32 $0x3C0, s2;
	[smem:$0x7E9] =	sst s31  }
0x27: {  	s10 =	sadd.s32 $0x60, s2;
	[smem:$0x7EE] =	sst s9  }
0x28: {  	s15 =	sadd.s32 $0xA0, s2;
	[smem:$0x7EF] =	sst s10  }
0x29: {  	s16 =	sadd.s32 $0xE0, s2;
	[smem:$0x7F0] =	sst s15  }
0x2a: {  	s3 =	srdreg.scid;
	s17 =	sadd.s32 $0x120, s2;
	[smem:$0x7F1] =	sst s16  }
0x2b: {  	s3 =	sand.u32 $0x1, s3;
	s18 =	sadd.s32 $0x160, s2;
	[smem:$0x7F2] =	sst s17  }
0x2c: {  	s8 =	sadd.s32 $0x20A00, s0;
	s19 =	sadd.s32 $0x1A0, s2;
	[smem:$0x7F3] =	sst s18  }
0x2d: {  	s4 =	sor.u32 s3, s4;
	s20 =	sadd.s32 $0x1E0, s2;
	[smem:$0x7F4] =	sst s19  }
0x2e: {  	s3 =	ssub.s32 $0x2, s3;
	s21 =	sadd.s32 $0x220, s2;
	[smem:$0x7F5] =	sst s20  }
0x2f: {  	s5 =	sshll.u32 s4, $0xC;
	s22 =	sadd.s32 $0x260, s2;
	[smem:$0x7F6] =	sst s21  }
0x30: {  	s7 =	sshrl.u32 s3, $0x1;
	s23 =	sadd.s32 $0x2A0, s2;
	[smem:$0x7F7] =	sst s22  }
0x31: {  	s4 =	sshll.u32 s4, $0x7;
	s24 =	sadd.s32 $0x2E0, s2;
	[smem:$0x7F8] =	sst s23  }
0x32: {  	s11 =	sand.u32 $0x380, s4;
	s4 =	sadd.s32 $0x80, s1;
	[smem:$0x7F9] =	sst s24  }
0x33: {  	s0 =	sadd.s32 s5, s0;
	s5 =	sadd.s32 $0xC0, s1;
	[dreg:$0xc] =	wrdreg s4  }
0x34: {  	s3 =	ssub.s32 s3, s7;
	s7 =	sadd.s32 $0x100, s1;
	[dreg:$0xd] =	wrdreg s5  }
0x35: {  	s26 =	sadd.s32 $0x320, s2;
	[dreg:$0xe] =	wrdreg s7  }
0x36: {  	s28 =	simm.s32 $0x3;
	s29 =	sadd.s32 $0x360, s2;
	[smem:$0x7FA] =	sst s26  }
0x37: {  	s13 =	sadd.s32 $0x10, s1;
	s31 =	sadd.s32 $0x3E0, s2;
	[smem:$0x7FB] =	sst s29  }
0x38: {  	s14 =	sadd.s32 $0x10, s2;
	s30 =	sadd.s32 $0xC00, s0;
	[smem:$0x7FD] =	sst s31  }
0x39: {  	s10 =	simm.s32 $0x1BB80;
	s3 =	smax.u32 s3, $0x1;
	[dreg:$0x9] =	wrdreg s30  }
0x3a: {  	s15 =	simm.s32 $0x1BD80;
	s4 =	sadd.s32 $0x1E0, s1;
	[dreg:$0xa] =	wrdreg s3  }
0x3b: {  	s17 =	simm.s32 $0x1BF80;
	s5 =	sadd.s32 $0x220, s1;
	[smem:$0x7D7] =	sst s4  }
0x3c: {  	s18 =	simm.s32 $0x1C180;
	s7 =	sadd.s32 $0x260, s1;
	[smem:$0x7D8] =	sst s5  }
0x3d: {  	s19 =	simm.s32 $0x1C380;
	s30 =	sadd.s32 $0x120, s1;
	[smem:$0x7D9] =	sst s7  }
0x3e: {  	s20 =	simm.s32 $0x1C580;
	s3 =	sadd.s32 $0x1A0, s1;
	[dreg:$0x1d] =	wrdreg s30  }
0x3f: {  	s21 =	simm.s32 $0x80;
	s4 =	sadd.s32 $0x300, s2;
	[dreg:$0x1f] =	wrdreg s3  }
0x40: {  	s22 =	simm.s32 $0x400;
	s5 =	sadd.s32 $0x340, s2;
	[smem:$0x7EB] =	sst s4  }
0x41: {  	s23 =	simm.s32 $0x4;
	s7 =	sadd.s32 $0x380, s2;
	[smem:$0x7EC] =	sst s5  }
0x42: {  	s24 =	simm.s32 $0x1;
	s30 =	sadd.s32 $0x240, s2;
	[smem:$0x7ED] =	sst s7  }
0x43: {  	s12 =	sadd.s32 $0xA00, s0;
	s3 =	sadd.s32 $0x2C0, s2;
	[smem:$0x7E8] =	sst s30  }
0x44: {  	s25 =	sadd.s32 $0xE00, s0;
	[smem:$0x7EA] =	sst s3;
	s30 =	sadd.s32 $0x3A0, s2  }
0x45: {  	s26 =	simm.s32 $0x2;
	s3 =	simm.s32 $0x0;
	[smem:$0x7FC] =	sst s30  }
.LBB2_1:
0x46: {  	[smem:$0x7D6] =	sst s3;
	p1 =	por $0x1, $0x1;
	s0 =	simm.s32 $0x0  }
.LBB2_2:
0x47: {  	s31 =	simm.s32 $0x0;
	s3 =	simm.s32 $0x1A700;
	s16 =	rddreg [dreg:$0xb]  }
0x48: {  	[tilespmem:s3], [sflag:$0x1] =	stream.linear.gather [hbm4b:s1+s31], $0x80, $0x38;
	[tilespmem:$0x1E800] =	vst v63  }
0x49: {  	s4 =	simm.s32 $0x1A900;
	s5 =	rddreg [dreg:$0xc]  }
0x4a: {  	[tilespmem:s4], [sflag:$0x1] =	stream.linear.gather [hbm4b:s16+s31], $0x80, $0x38;
	[tilespmem:$0x1E800] =	vst v63  }
0x4b: {  	s7 =	simm.s32 $0x1AB00;
	s9 =	rddreg [dreg:$0xd]  }
0x4c: {  	[tilespmem:s7], [sflag:$0x1] =	stream.linear.gather [hbm4b:s5+s31], $0x80, $0x38;
	[tilespmem:$0x1E800] =	vst v63  }
0x4d: {  	s16 =	simm.s32 $0x1AD00;
	s5 =	rddreg [dreg:$0xe]  }
0x4e: {  	[tilespmem:s16], [sflag:$0x1] =	stream.linear.gather [hbm4b:s9+s31], $0x80, $0x38;
	[tilespmem:$0x1E800] =	vst v63  }
0x4f: {  	s7 =	simm.s32 $0x1AF00;
	s9 =	rddreg [dreg:$0xf]  }
0x50: {  	[tilespmem:s7], [sflag:$0x1] =	stream.linear.gather [hbm4b:s5+s31], $0x80, $0x38;
	[tilespmem:$0x1E800] =	vst v63  }
0x51: {  	s16 =	simm.s32 $0x1B100;
	s5 =	rddreg [dreg:$0x10]  }
0x52: {  	[tilespmem:s16], [sflag:$0x1] =	stream.linear.gather [hbm4b:s9+s31], $0x80, $0x38;
	[tilespmem:$0x1E800] =	vst v63  }
0x53: {  	s7 =	simm.s32 $0x1B300;
	s9 =	rddreg [dreg:$0x11]  }
0x54: {  	[tilespmem:s7], [sflag:$0x1] =	stream.linear.gather [hbm4b:s5+s31], $0x80, $0x38;
	[tilespmem:$0x1E800] =	vst v63  }
0x55: {  	s16 =	simm.s32 $0x1B500;
	s5 =	rddreg [dreg:$0x12]  }
0x56: {  	[tilespmem:s16], [sflag:$0x1] =	stream.linear.gather [hbm4b:s9+s31], $0x80, $0x38;
	[tilespmem:$0x1E800] =	vst v63  }
0x57: {  	s7 =	simm.s32 $0x1B700;
	s9 =	rddreg [dreg:$0x13]  }
0x58: {  	[tilespmem:s7], [sflag:$0x1] =	stream.linear.gather [hbm4b:s5+s31], $0x80, $0x38;
	[tilespmem:$0x1E800] =	vst v63  }
0x59: {  	s16 =	simm.s32 $0x1B900;
	s5 =	rddreg [dreg:$0x14]  }
0x5a: {  	[tilespmem:s16], [sflag:$0x1] =	stream.linear.gather [hbm4b:s9+s31], $0x80, $0x38;
	[tilespmem:$0x1E800] =	vst v63  }
0x5b: {  	s7 =	simm.s32 $0x1BB00;
	s9 =	rddreg [dreg:$0x15]  }
0x5c: {  	[tilespmem:s7], [sflag:$0x1] =	stream.linear.gather [hbm4b:s5+s31], $0x80, $0x38;
	[tilespmem:$0x1E800] =	vst v63  }
0x5d: {  	s16 =	simm.s32 $0x1BD00;
	s5 =	rddreg [dreg:$0x16]  }
0x5e: {  	[tilespmem:s16], [sflag:$0x1] =	stream.linear.gather [hbm4b:s9+s31], $0x80, $0x38;
	[tilespmem:$0x1E800] =	vst v63  }
0x5f: {  	s7 =	simm.s32 $0x1BF00;
	s9 =	rddreg [dreg:$0x17]  }
0x60: {  	[tilespmem:s7], [sflag:$0x1] =	stream.linear.gather [hbm4b:s5+s31], $0x80, $0x38;
	[tilespmem:$0x1E800] =	vst v63  }
0x61: {  	s16 =	simm.s32 $0x1C100;
	s5 =	rddreg [dreg:$0x18]  }
0x62: {  	[tilespmem:s16], [sflag:$0x1] =	stream.linear.gather [hbm4b:s9+s31], $0x80, $0x38;
	[tilespmem:$0x1E800] =	vst v63  }
0x63: {  	s7 =	simm.s32 $0x1C300;
	s9 =	rddreg [dreg:$0x19]  }
0x64: {  	[tilespmem:s7], [sflag:$0x1] =	stream.linear.gather [hbm4b:s5+s31], $0x80, $0x38;
	[tilespmem:$0x1E800] =	vst v63  }
0x65: {  	s16 =	simm.s32 $0x1C500;
	s5 =	rddreg [dreg:$0x7]  }
0x66: {  	[tilespmem:s16], [sflag:$0x1] =	stream.linear.gather [hbm4b:s9+s31], $0x80, $0x38;
	[tilespmem:$0x1E800] =	vst v63  }
0x67: {  	s7 =	simm.s32 $0x1A780;
	s9 =	rddreg [dreg:$0x1a]  }
0x68: {  	[tilespmem:s7], [sflag:$0x1] =	stream.linear.gather [hbm4b:s5+s31], $0x80, $0x38;
	[tilespmem:$0x1E800] =	vst v63  }
0x69: {  	s16 =	simm.s32 $0x1A980;
	s5 =	rddreg [dreg:$0x1b]  }
0x6a: {  	[tilespmem:s16], [sflag:$0x1] =	stream.linear.gather [hbm4b:s9+s31], $0x80, $0x38;
	[tilespmem:$0x1E800] =	vst v63  }
0x6b: {  	s7 =	simm.s32 $0x1AB80;
	s9 =	rddreg [dreg:$0x1c]  }
0x6c: {  	[tilespmem:s7], [sflag:$0x1] =	stream.linear.gather [hbm4b:s5+s31], $0x80, $0x38;
	[tilespmem:$0x1E800] =	vst v63  }
0x6d: {  	s16 =	simm.s32 $0x1AD80;
	s5 =	rddreg [dreg:$0x1d]  }
0x6e: {  	[tilespmem:s16], [sflag:$0x1] =	stream.linear.gather [hbm4b:s9+s31], $0x80, $0x38;
	[tilespmem:$0x1E800] =	vst v63  }
0x6f: {  	s7 =	simm.s32 $0x1AF80;
	s9 =	rddreg [dreg:$0x1e]  }
0x70: {  	[tilespmem:s7], [sflag:$0x1] =	stream.linear.gather [hbm4b:s5+s31], $0x80, $0x38;
	[tilespmem:$0x1E800] =	vst v63  }
0x71: {  	s16 =	simm.s32 $0x1B180;
	s5 =	rddreg [dreg:$0x1f]  }
0x72: {  	[tilespmem:s16], [sflag:$0x1] =	stream.linear.gather [hbm4b:s9+s31], $0x80, $0x38;
	[tilespmem:$0x1E800] =	vst v63  }
0x73: {  	s7 =	simm.s32 $0x1B380;
	s9 =	sld [smem:$0x7D7]  }
0x74: {  	[tilespmem:s7], [sflag:$0x1] =	stream.linear.gather [hbm4b:s5+s31], $0x80, $0x38;
	[tilespmem:$0x1E800] =	vst v63  }
0x75: {  	s4 =	sld [smem:$0x7D8];
	s16 =	simm.s32 $0x1B580  }
0x76: {  	[tilespmem:s16], [sflag:$0x1] =	stream.linear.gather [hbm4b:s9+s31], $0x80, $0x38;
	[tilespmem:$0x1E800] =	vst v63  }
0x77: {  	s5 =	simm.s32 $0x1B780;
	s7 =	sld [smem:$0x7D9]  }
0x78: {  	[tilespmem:s5], [sflag:$0x1] =	stream.linear.gather [hbm4b:s4+s31], $0x80, $0x38;
	[tilespmem:$0x1E800] =	vst v63  }
0x79: {  	s9 =	simm.s32 $0x1B980;
	s16 =	sld [smem:$0x7DA]  }
0x7a: {  	[tilespmem:s9], [sflag:$0x1] =	stream.linear.gather [hbm4b:s7+s31], $0x80, $0x38;
	[tilespmem:$0x1E800] =	vst v63  }
0x7b: {  	s4 =	sld [smem:$0x7DB]  }
0x7c: {  	[tilespmem:s10], [sflag:$0x1] =	stream.linear.gather [hbm4b:s16+s31], $0x80, $0x38;
	[tilespmem:$0x1E800] =	vst v63  }
0x7d: {  	s5 =	sld [smem:$0x7DC]  }
0x7e: {  	[tilespmem:s15], [sflag:$0x1] =	stream.linear.gather [hbm4b:s4+s31], $0x80, $0x38;
	[tilespmem:$0x1E800] =	vst v63  }
0x7f: {  	s7 =	sld [smem:$0x7DD]  }
0x80: {  	[tilespmem:s17], [sflag:$0x1] =	stream.linear.gather [hbm4b:s5+s31], $0x80, $0x38;
	[tilespmem:$0x1E800] =	vst v63  }
0x81: {  	s9 =	sld [smem:$0x7DE]  }
0x82: {  	[tilespmem:s18], [sflag:$0x1] =	stream.linear.gather [hbm4b:s7+s31], $0x80, $0x38;
	[tilespmem:$0x1E800] =	vst v63  }
0x83: {  	s16 =	sld [smem:$0x7DF]  }
0x84: {  	[tilespmem:s19], [sflag:$0x1] =	stream.linear.gather [hbm4b:s9+s31], $0x80, $0x38;
	[tilespmem:$0x1E800] =	vst v63  }
0x85: {  	_ = 	snop  }
0x86: {  	[tilespmem:s20], [sflag:$0x1] =	stream.linear.gather [hbm4b:s16+s31], $0x80, $0x38;
	[tilespmem:$0x1E800] =	vst v63  }
0x87: {  	s4 =	simm.s32 $0x1A800;
	s5 =	sld [smem:$0x7E0]  }
0x88: {  	[tilespmem:s4], [sflag:$0x1] =	stream.linear.gather [hbm4b:s2+s31], $0x80, $0x38;
	[tilespmem:$0x1E800] =	vst v63  }
0x89: {  	s7 =	simm.s32 $0x1AA00;
	s9 =	sld [smem:$0x7E1]  }
0x8a: {  	[tilespmem:s7], [sflag:$0x1] =	stream.linear.gather [hbm4b:s5+s31], $0x80, $0x38;
	[tilespmem:$0x1E800] =	vst v63  }
0x8b: {  	s16 =	simm.s32 $0x1AC00;
	s5 =	sld [smem:$0x7E2]  }
0x8c: {  	[tilespmem:s16], [sflag:$0x1] =	stream.linear.gather [hbm4b:s9+s31], $0x80, $0x38;
	[tilespmem:$0x1E800] =	vst v63  }
0x8d: {  	s7 =	simm.s32 $0x1AE00;
	s9 =	sld [smem:$0x7E3]  }
0x8e: {  	[tilespmem:s7], [sflag:$0x1] =	stream.linear.gather [hbm4b:s5+s31], $0x80, $0x38;
	[tilespmem:$0x1E800] =	vst v63  }
0x8f: {  	s16 =	simm.s32 $0x1B000;
	s5 =	sld [smem:$0x7E4]  }
0x90: {  	[tilespmem:s16], [sflag:$0x1] =	stream.linear.gather [hbm4b:s9+s31], $0x80, $0x38;
	[tilespmem:$0x1E800] =	vst v63  }
0x91: {  	s7 =	simm.s32 $0x1B200;
	s9 =	sld [smem:$0x7E5]  }
0x92: {  	[tilespmem:s7], [sflag:$0x1] =	stream.linear.gather [hbm4b:s5+s31], $0x80, $0x38;
	[tilespmem:$0x1E800] =	vst v63  }
0x93: {  	s16 =	simm.s32 $0x1B400;
	s5 =	sld [smem:$0x7E6]  }
0x94: {  	[tilespmem:s16], [sflag:$0x1] =	stream.linear.gather [hbm4b:s9+s31], $0x80, $0x38;
	[tilespmem:$0x1E800] =	vst v63  }
0x95: {  	s7 =	simm.s32 $0x1B600;
	s9 =	sld [smem:$0x7E7]  }
0x96: {  	[tilespmem:s7], [sflag:$0x1] =	stream.linear.gather [hbm4b:s5+s31], $0x80, $0x38;
	[tilespmem:$0x1E800] =	vst v63  }
0x97: {  	s16 =	simm.s32 $0x1B800;
	s5 =	sld [smem:$0x7E8]  }
0x98: {  	[tilespmem:s16], [sflag:$0x1] =	stream.linear.gather [hbm4b:s9+s31], $0x80, $0x38;
	[tilespmem:$0x1E800] =	vst v63  }
0x99: {  	s7 =	simm.s32 $0x1BA00;
	s9 =	sld [smem:$0x7E9]  }
0x9a: {  	[tilespmem:s7], [sflag:$0x1] =	stream.linear.gather [hbm4b:s5+s31], $0x80, $0x38;
	[tilespmem:$0x1E800] =	vst v63  }
0x9b: {  	s16 =	simm.s32 $0x1BC00;
	s5 =	sld [smem:$0x7EA]  }
0x9c: {  	[tilespmem:s16], [sflag:$0x1] =	stream.linear.gather [hbm4b:s9+s31], $0x80, $0x38;
	[tilespmem:$0x1E800] =	vst v63  }
0x9d: {  	s7 =	simm.s32 $0x1BE00;
	s9 =	sld [smem:$0x7EB]  }
0x9e: {  	[tilespmem:s7], [sflag:$0x1] =	stream.linear.gather [hbm4b:s5+s31], $0x80, $0x38;
	[tilespmem:$0x1E800] =	vst v63  }
0x9f: {  	s16 =	simm.s32 $0x1C000;
	s5 =	sld [smem:$0x7EC]  }
0xa0: {  	[tilespmem:s16], [sflag:$0x1] =	stream.linear.gather [hbm4b:s9+s31], $0x80, $0x38;
	[tilespmem:$0x1E800] =	vst v63  }
0xa1: {  	s7 =	simm.s32 $0x1C200;
	s9 =	sld [smem:$0x7ED]  }
0xa2: {  	[tilespmem:s7], [sflag:$0x1] =	stream.linear.gather [hbm4b:s5+s31], $0x80, $0x38;
	[tilespmem:$0x1E800] =	vst v63  }
0xa3: {  	s16 =	simm.s32 $0x1C400;
	s5 =	sld [smem:$0x7EE]  }
0xa4: {  	[tilespmem:s16], [sflag:$0x1] =	stream.linear.gather [hbm4b:s9+s31], $0x80, $0x38;
	[tilespmem:$0x1E800] =	vst v63  }
0xa5: {  	s7 =	simm.s32 $0x1C600;
	s9 =	rddreg [dreg:$0x8]  }
0xa6: {  	[tilespmem:s7], [sflag:$0x1] =	stream.linear.gather [hbm4b:s5+s31], $0x80, $0x38;
	[tilespmem:$0x1E800] =	vst v63  }
0xa7: {  	s16 =	simm.s32 $0x1A880;
	s5 =	sld [smem:$0x7EF]  }
0xa8: {  	[tilespmem:s16], [sflag:$0x1] =	stream.linear.gather [hbm4b:s9+s31], $0x80, $0x38;
	[tilespmem:$0x1E800] =	vst v63  }
0xa9: {  	s7 =	simm.s32 $0x1AA80;
	s9 =	sld [smem:$0x7F0]  }
0xaa: {  	[tilespmem:s7], [sflag:$0x1] =	stream.linear.gather [hbm4b:s5+s31], $0x80, $0x38;
	[tilespmem:$0x1E800] =	vst v63  }
0xab: {  	s16 =	simm.s32 $0x1AC80;
	s5 =	sld [smem:$0x7F1]  }
0xac: {  	[tilespmem:s16], [sflag:$0x1] =	stream.linear.gather [hbm4b:s9+s31], $0x80, $0x38;
	[tilespmem:$0x1E800] =	vst v63  }
0xad: {  	s7 =	simm.s32 $0x1AE80;
	s9 =	sld [smem:$0x7F2]  }
0xae: {  	[tilespmem:s7], [sflag:$0x1] =	stream.linear.gather [hbm4b:s5+s31], $0x80, $0x38;
	[tilespmem:$0x1E800] =	vst v63  }
0xaf: {  	s16 =	simm.s32 $0x1B080;
	s5 =	sld [smem:$0x7F3]  }
0xb0: {  	[tilespmem:s16], [sflag:$0x1] =	stream.linear.gather [hbm4b:s9+s31], $0x80, $0x38;
	[tilespmem:$0x1E800] =	vst v63  }
0xb1: {  	s7 =	simm.s32 $0x1B280;
	s9 =	sld [smem:$0x7F4]  }
0xb2: {  	[tilespmem:s7], [sflag:$0x1] =	stream.linear.gather [hbm4b:s5+s31], $0x80, $0x38;
	[tilespmem:$0x1E800] =	vst v63  }
0xb3: {  	s16 =	simm.s32 $0x1B480;
	s5 =	sld [smem:$0x7F5]  }
0xb4: {  	[tilespmem:s16], [sflag:$0x1] =	stream.linear.gather [hbm4b:s9+s31], $0x80, $0x38;
	[tilespmem:$0x1E800] =	vst v63  }
0xb5: {  	s7 =	simm.s32 $0x1B680;
	s9 =	sld [smem:$0x7F6]  }
0xb6: {  	[tilespmem:s7], [sflag:$0x1] =	stream.linear.gather [hbm4b:s5+s31], $0x80, $0x38;
	[tilespmem:$0x1E800] =	vst v63  }
0xb7: {  	s16 =	simm.s32 $0x1B880;
	s5 =	sld [smem:$0x7F7]  }
0xb8: {  	[tilespmem:s16], [sflag:$0x1] =	stream.linear.gather [hbm4b:s9+s31], $0x80, $0x38;
	[tilespmem:$0x1E800] =	vst v63  }
0xb9: {  	s7 =	simm.s32 $0x1BA80;
	s9 =	sld [smem:$0x7F8]  }
0xba: {  	[tilespmem:s7], [sflag:$0x1] =	stream.linear.gather [hbm4b:s5+s31], $0x80, $0x38;
	[tilespmem:$0x1E800] =	vst v63  }
0xbb: {  	s16 =	simm.s32 $0x1BC80;
	s5 =	sld [smem:$0x7F9]  }
0xbc: {  	[tilespmem:s16], [sflag:$0x1] =	stream.linear.gather [hbm4b:s9+s31], $0x80, $0x38;
	[tilespmem:$0x1E800] =	vst v63  }
0xbd: {  	s7 =	simm.s32 $0x1BE80;
	s9 =	sld [smem:$0x7FA]  }
0xbe: {  	[tilespmem:s7], [sflag:$0x1] =	stream.linear.gather [hbm4b:s5+s31], $0x80, $0x38;
	[tilespmem:$0x1E800] =	vst v63  }
0xbf: {  	s16 =	simm.s32 $0x1C080;
	s5 =	sld [smem:$0x7FB]  }
0xc0: {  	[tilespmem:s16], [sflag:$0x1] =	stream.linear.gather [hbm4b:s9+s31], $0x80, $0x38;
	[tilespmem:$0x1E800] =	vst v63  }
0xc1: {  	s7 =	simm.s32 $0x1C280;
	s9 =	sld [smem:$0x7FC]  }
0xc2: {  	[tilespmem:s7], [sflag:$0x1] =	stream.linear.gather [hbm4b:s5+s31], $0x80, $0x38;
	[tilespmem:$0x1E800] =	vst v63  }
0xc3: {  	s5 =	rddreg [dreg:$0x6]  }
0xc4: {  	s16 =	simm.s32 $0x1C480;
	s7 =	sld [smem:$0x7FD];
	s0 =	sor.u32 s5, s0  }
0xc5: {  	[tilespmem:s16], [sflag:$0x1] =	stream.linear.gather [hbm4b:s9+s31], $0x80, $0x38;
	[tilespmem:$0x1E800] =	vst v63  }
0xc6: {  	s29 =	sshrl.u32 s0, $0x3  }
0xc7: {  	s9 =	simm.s32 $0x1C680;
	s0 =	smul.u32 $0xC3800, s29  }
0xc8: {  	[tilespmem:s9], [sflag:$0x1] =	stream.linear.gather [hbm4b:s7+s31], $0x80, $0x38;
	[tilespmem:$0x1E800] =	vst v63  }
0xc9: {  	s0 =	sor.u32 s11, s0  }
0xca: {  	s16 =	rddreg [dreg:$0x2];
	s30 =	sshrl.u32 s0, $0x3  }
0xcb: {  	s0 =	sadd.s32 s16, s30  }
0xcc: {  	[tilespmem:s31], [sflag:$0x4] =	stream.strided.gather [hbm4b:s0+s21], $0x18700, s22, s21, $0x38;
	[tilespmem:$0x1E800] =	vst v63  }
0xcd: {  	_ =	swait.ge [sflag:s23], $0x18700  }
0xce: {  	[sflag:s23] =	ssyncset.done $0x0  }
0xcf: {  	p0 =	por p1, p1;
	p1 =	por $0x0, $0x0;
	[sflag:s23] =	ssyncadd.s32 $0xFFFE7900  }
.LBB2_3:
0xd0: {  	_ =	swait.ge [sflag:s24], $0x800  }
0xd1: {  	[sflag:s24] =	ssyncset.done $0x0  }
0xd2: {  	[sflag:s24] =	ssyncadd.s32 $0xFFFFF800  }
0xd3: {  	_ =	swait.ge [sflag:s24], $0x800  }
0xd4: {  	[sflag:s24] =	ssyncset.done $0x0  }
0xd5: {  	[sflag:s24] =	ssyncadd.s32 $0xFFFFF800  }
0xd6: {  	p2 =	seq.s32 s31, $0x7;
	_ =	swait.ge [sflag:s24], $0x800  }
.Ltmp0:
0xd7: {  	[sflag:s24] =	ssyncset.done $0x0;
	(pc) =	sbr.rel @!p2 .LBB2_4-.Ltmp0, $4  }
0xd8: {  	[sflag:s24] =	ssyncadd.s32 $0xFFFFF800  }
0xd9: {  	_ =	swait.ge [sflag:s24], $0x800  }
0xda: {  	[sflag:s24] =	ssyncset.done $0x0  }
0xdb: {  	s0 =	sadd.s32 $0x1, s31;
	[sflag:s24] =	ssyncadd.s32 $0xFFFFF800  }
.LBB2_6:
0xdc: {  	s3 =	simm.s32 $0x3  }
.LBB2_7:
.Ltmp1:
0xdd: {  	(pc) =	sbr.rel .LBB2_8-.Ltmp1, $4  }
0xde: {  	_ = 	snop  }
0xdf: {  	_ =	swait.ge [sflag:s3], $0x1000  }
0xe0: {  	[sflag:s3] =	ssyncset.done $0x0  }
0xe1: {  	[sflag:s3] =	ssyncadd.s32 $0xFFFFF000  }
.LBB2_4:
0xe2: {  	s3 =	sshll.u32 s0, $0xD  }
0xe3: {  	s5 =	sand.u32 $0x2000, s3;
	s3 =	sshll.u32 s0, $0xA  }
0xe4: {  	s16 =	sadd.s32 $0x1A700, s5;
	s4 =	sadd.s32 s1, s3  }
0xe5: {  	[tilespmem:s16], [sflag:$0x1] =	stream.linear.gather [hbm4b:s4+s6], $0x80, $0x38;
	[tilespmem:$0x1E800] =	vst v63  }
0xe6: {  	s7 =	sadd.s32 $0x1A900, s5;
	s9 =	sadd.s32 $0x40, s4  }
0xe7: {  	[tilespmem:s7], [sflag:$0x1] =	stream.linear.gather [hbm4b:s9+s6], $0x80, $0x38;
	[tilespmem:$0x1E800] =	vst v63  }
0xe8: {  	s16 =	sadd.s32 $0x80, s4;
	s9 =	sadd.s32 $0x1AB00, s5  }
0xe9: {  	[tilespmem:s9], [sflag:$0x1] =	stream.linear.gather [hbm4b:s16+s6], $0x80, $0x38;
	[tilespmem:$0x1E800] =	vst v63  }
0xea: {  	s16 =	sadd.s32 $0xC0, s4;
	s9 =	sadd.s32 $0x1AD00, s5  }
0xeb: {  	[tilespmem:s9], [sflag:$0x1] =	stream.linear.gather [hbm4b:s16+s6], $0x80, $0x38;
	[tilespmem:$0x1E800] =	vst v63  }
0xec: {  	s16 =	sadd.s32 $0x100, s4;
	s9 =	sadd.s32 $0x1AF00, s5  }
0xed: {  	[tilespmem:s9], [sflag:$0x1] =	stream.linear.gather [hbm4b:s16+s6], $0x80, $0x38;
	[tilespmem:$0x1E800] =	vst v63  }
0xee: {  	s16 =	sadd.s32 $0x140, s4;
	s9 =	sadd.s32 $0x1B100, s5  }
0xef: {  	[tilespmem:s9], [sflag:$0x1] =	stream.linear.gather [hbm4b:s16+s6], $0x80, $0x38;
	[tilespmem:$0x1E800] =	vst v63  }
0xf0: {  	s16 =	sadd.s32 $0x180, s4;
	s9 =	sadd.s32 $0x1B300, s5  }
0xf1: {  	[tilespmem:s9], [sflag:$0x1] =	stream.linear.gather [hbm4b:s16+s6], $0x80, $0x38;
	[tilespmem:$0x1E800] =	vst v63  }
0xf2: {  	s16 =	sadd.s32 $0x1C0, s4;
	s9 =	sadd.s32 $0x1B500, s5  }
0xf3: {  	[tilespmem:s9], [sflag:$0x1] =	stream.linear.gather [hbm4b:s16+s6], $0x80, $0x38;
	[tilespmem:$0x1E800] =	vst v63  }
0xf4: {  	s16 =	sadd.s32 $0x200, s4;
	s9 =	sadd.s32 $0x1B700, s5  }
0xf5: {  	[tilespmem:s9], [sflag:$0x1] =	stream.linear.gather [hbm4b:s16+s6], $0x80, $0x38;
	[tilespmem:$0x1E800] =	vst v63  }
0xf6: {  	s16 =	sadd.s32 $0x240, s4;
	s9 =	sadd.s32 $0x1B900, s5  }
0xf7: {  	[tilespmem:s9], [sflag:$0x1] =	stream.linear.gather [hbm4b:s16+s6], $0x80, $0x38;
	[tilespmem:$0x1E800] =	vst v63  }
0xf8: {  	s16 =	sadd.s32 $0x280, s4;
	s9 =	sadd.s32 $0x1BB00, s5  }
0xf9: {  	[tilespmem:s9], [sflag:$0x1] =	stream.linear.gather [hbm4b:s16+s6], $0x80, $0x38;
	[tilespmem:$0x1E800] =	vst v63  }
0xfa: {  	s16 =	sadd.s32 $0x2C0, s4;
	s9 =	sadd.s32 $0x1BD00, s5  }
0xfb: {  	[tilespmem:s9], [sflag:$0x1] =	stream.linear.gather [hbm4b:s16+s6], $0x80, $0x38;
	[tilespmem:$0x1E800] =	vst v63  }
0xfc: {  	s16 =	sadd.s32 $0x300, s4;
	s9 =	sadd.s32 $0x1BF00, s5  }
0xfd: {  	[tilespmem:s9], [sflag:$0x1] =	stream.linear.gather [hbm4b:s16+s6], $0x80, $0x38;
	[tilespmem:$0x1E800] =	vst v63  }
0xfe: {  	s16 =	sadd.s32 $0x340, s4;
	s9 =	sor.u32 $0x1C100, s5  }
0xff: {  	[tilespmem:s9], [sflag:$0x1] =	stream.linear.gather [hbm4b:s16+s6], $0x80, $0x38;
	[tilespmem:$0x1E800] =	vst v63  }
0x100: {  	s16 =	sadd.s32 $0x380, s4;
	s9 =	sor.u32 $0x1C300, s5  }
0x101: {  	[tilespmem:s9], [sflag:$0x1] =	stream.linear.gather [hbm4b:s16+s6], $0x80, $0x38;
	[tilespmem:$0x1E800] =	vst v63  }
0x102: {  	s4 =	sadd.s32 $0x3C0, s4;
	s16 =	sor.u32 $0x1C500, s5  }
0x103: {  	[tilespmem:s16], [sflag:$0x1] =	stream.linear.gather [hbm4b:s4+s6], $0x80, $0x38;
	[tilespmem:$0x1E800] =	vst v63  }
0x104: {  	s16 =	sor.u32 $0x20, s3  }
0x105: {  	s9 =	sadd.s32 $0x1A780, s5;
	s7 =	sadd.s32 s1, s16  }
0x106: {  	[tilespmem:s9], [sflag:$0x1] =	stream.linear.gather [hbm4b:s7+s6], $0x80, $0x38;
	[tilespmem:$0x1E800] =	vst v63  }
0x107: {  	s4 =	sadd.s32 $0x40, s7;
	s9 =	sadd.s32 $0x1A980, s5  }
0x108: {  	[tilespmem:s9], [sflag:$0x1] =	stream.linear.gather [hbm4b:s4+s6], $0x80, $0x38;
	[tilespmem:$0x1E800] =	vst v63  }
0x109: {  	s4 =	sadd.s32 $0x80, s7;
	s9 =	sadd.s32 $0x1AB80, s5  }
0x10a: {  	[tilespmem:s9], [sflag:$0x1] =	stream.linear.gather [hbm4b:s4+s6], $0x80, $0x38;
	[tilespmem:$0x1E800] =	vst v63  }
0x10b: {  	s4 =	sadd.s32 $0xC0, s7;
	s9 =	sadd.s32 $0x1AD80, s5  }
0x10c: {  	[tilespmem:s9], [sflag:$0x1] =	stream.linear.gather [hbm4b:s4+s6], $0x80, $0x38;
	[tilespmem:$0x1E800] =	vst v63  }
0x10d: {  	s4 =	sadd.s32 $0x100, s7;
	s9 =	sadd.s32 $0x1AF80, s5  }
0x10e: {  	[tilespmem:s9], [sflag:$0x1] =	stream.linear.gather [hbm4b:s4+s6], $0x80, $0x38;
	[tilespmem:$0x1E800] =	vst v63  }
0x10f: {  	s4 =	sadd.s32 $0x140, s7;
	s9 =	sadd.s32 $0x1B180, s5  }
0x110: {  	[tilespmem:s9], [sflag:$0x1] =	stream.linear.gather [hbm4b:s4+s6], $0x80, $0x38;
	[tilespmem:$0x1E800] =	vst v63  }
0x111: {  	s4 =	sadd.s32 $0x180, s7;
	s9 =	sadd.s32 $0x1B380, s5  }
0x112: {  	[tilespmem:s9], [sflag:$0x1] =	stream.linear.gather [hbm4b:s4+s6], $0x80, $0x38;
	[tilespmem:$0x1E800] =	vst v63  }
0x113: {  	s4 =	sadd.s32 $0x1C0, s7;
	s9 =	sadd.s32 $0x1B580, s5  }
0x114: {  	[tilespmem:s9], [sflag:$0x1] =	stream.linear.gather [hbm4b:s4+s6], $0x80, $0x38;
	[tilespmem:$0x1E800] =	vst v63  }
0x115: {  	s4 =	sadd.s32 $0x200, s7;
	s9 =	sadd.s32 $0x1B780, s5  }
0x116: {  	[tilespmem:s9], [sflag:$0x1] =	stream.linear.gather [hbm4b:s4+s6], $0x80, $0x38;
	[tilespmem:$0x1E800] =	vst v63  }
0x117: {  	s4 =	sadd.s32 $0x240, s7;
	s9 =	sadd.s32 $0x1B980, s5  }
0x118: {  	[tilespmem:s9], [sflag:$0x1] =	stream.linear.gather [hbm4b:s4+s6], $0x80, $0x38;
	[tilespmem:$0x1E800] =	vst v63  }
0x119: {  	s4 =	sadd.s32 $0x280, s7;
	s9 =	sadd.s32 $0x1BB80, s5  }
0x11a: {  	[tilespmem:s9], [sflag:$0x1] =	stream.linear.gather [hbm4b:s4+s6], $0x80, $0x38;
	[tilespmem:$0x1E800] =	vst v63  }
0x11b: {  	s4 =	sadd.s32 $0x2C0, s7;
	s9 =	sadd.s32 $0x1BD80, s5  }
0x11c: {  	[tilespmem:s9], [sflag:$0x1] =	stream.linear.gather [hbm4b:s4+s6], $0x80, $0x38;
	[tilespmem:$0x1E800] =	vst v63  }
0x11d: {  	s4 =	sadd.s32 $0x300, s7;
	s9 =	sadd.s32 $0x1BF80, s5  }
0x11e: {  	[tilespmem:s9], [sflag:$0x1] =	stream.linear.gather [hbm4b:s4+s6], $0x80, $0x38;
	[tilespmem:$0x1E800] =	vst v63  }
0x11f: {  	s4 =	sadd.s32 $0x340, s7;
	s9 =	sor.u32 $0x1C180, s5  }
0x120: {  	[tilespmem:s9], [sflag:$0x1] =	stream.linear.gather [hbm4b:s4+s6], $0x80, $0x38;
	[tilespmem:$0x1E800] =	vst v63  }
0x121: {  	s4 =	sadd.s32 $0x380, s7;
	s9 =	sor.u32 $0x1C380, s5  }
0x122: {  	[tilespmem:s9], [sflag:$0x1] =	stream.linear.gather [hbm4b:s4+s6], $0x80, $0x38;
	[tilespmem:$0x1E800] =	vst v63  }
0x123: {  	s7 =	sadd.s32 $0x3C0, s7;
	s9 =	sor.u32 $0x1C580, s5  }
0x124: {  	[tilespmem:s9], [sflag:$0x1] =	stream.linear.gather [hbm4b:s7+s6], $0x80, $0x38;
	[tilespmem:$0x1E800] =	vst v63  }
0x125: {  	s3 =	sadd.s32 s2, s3;
	s9 =	sadd.s32 $0x1A800, s5  }
0x126: {  	[tilespmem:s9], [sflag:$0x1] =	stream.linear.gather [hbm4b:s3+s6], $0x80, $0x38;
	[tilespmem:$0x1E800] =	vst v63  }
0x127: {  	s7 =	sadd.s32 $0x40, s3;
	s9 =	sadd.s32 $0x1AA00, s5  }
0x128: {  	[tilespmem:s9], [sflag:$0x1] =	stream.linear.gather [hbm4b:s7+s6], $0x80, $0x38;
	[tilespmem:$0x1E800] =	vst v63  }
0x129: {  	s7 =	sadd.s32 $0x80, s3;
	s9 =	sadd.s32 $0x1AC00, s5  }
0x12a: {  	[tilespmem:s9], [sflag:$0x1] =	stream.linear.gather [hbm4b:s7+s6], $0x80, $0x38;
	[tilespmem:$0x1E800] =	vst v63  }
0x12b: {  	s7 =	sadd.s32 $0xC0, s3;
	s9 =	sadd.s32 $0x1AE00, s5  }
0x12c: {  	[tilespmem:s9], [sflag:$0x1] =	stream.linear.gather [hbm4b:s7+s6], $0x80, $0x38;
	[tilespmem:$0x1E800] =	vst v63  }
0x12d: {  	s7 =	sadd.s32 $0x100, s3;
	s9 =	sadd.s32 $0x1B000, s5  }
0x12e: {  	[tilespmem:s9], [sflag:$0x1] =	stream.linear.gather [hbm4b:s7+s6], $0x80, $0x38;
	[tilespmem:$0x1E800] =	vst v63  }
0x12f: {  	s7 =	sadd.s32 $0x140, s3;
	s9 =	sadd.s32 $0x1B200, s5  }
0x130: {  	[tilespmem:s9], [sflag:$0x1] =	stream.linear.gather [hbm4b:s7+s6], $0x80, $0x38;
	[tilespmem:$0x1E800] =	vst v63  }
0x131: {  	s7 =	sadd.s32 $0x180, s3;
	s9 =	sadd.s32 $0x1B400, s5  }
0x132: {  	[tilespmem:s9], [sflag:$0x1] =	stream.linear.gather [hbm4b:s7+s6], $0x80, $0x38;
	[tilespmem:$0x1E800] =	vst v63  }
0x133: {  	s7 =	sadd.s32 $0x1C0, s3;
	s9 =	sadd.s32 $0x1B600, s5  }
0x134: {  	[tilespmem:s9], [sflag:$0x1] =	stream.linear.gather [hbm4b:s7+s6], $0x80, $0x38;
	[tilespmem:$0x1E800] =	vst v63  }
0x135: {  	s7 =	sadd.s32 $0x200, s3;
	s9 =	sadd.s32 $0x1B800, s5  }
0x136: {  	[tilespmem:s9], [sflag:$0x1] =	stream.linear.gather [hbm4b:s7+s6], $0x80, $0x38;
	[tilespmem:$0x1E800] =	vst v63  }
0x137: {  	s7 =	sadd.s32 $0x240, s3;
	s9 =	sadd.s32 $0x1BA00, s5  }
0x138: {  	[tilespmem:s9], [sflag:$0x1] =	stream.linear.gather [hbm4b:s7+s6], $0x80, $0x38;
	[tilespmem:$0x1E800] =	vst v63  }
0x139: {  	s7 =	sadd.s32 $0x280, s3;
	s9 =	sadd.s32 $0x1BC00, s5  }
0x13a: {  	[tilespmem:s9], [sflag:$0x1] =	stream.linear.gather [hbm4b:s7+s6], $0x80, $0x38;
	[tilespmem:$0x1E800] =	vst v63  }
0x13b: {  	s7 =	sadd.s32 $0x2C0, s3;
	s9 =	sadd.s32 $0x1BE00, s5  }
0x13c: {  	[tilespmem:s9], [sflag:$0x1] =	stream.linear.gather [hbm4b:s7+s6], $0x80, $0x38;
	[tilespmem:$0x1E800] =	vst v63  }
0x13d: {  	s7 =	sadd.s32 $0x300, s3;
	s9 =	sor.u32 $0x1C000, s5  }
0x13e: {  	[tilespmem:s9], [sflag:$0x1] =	stream.linear.gather [hbm4b:s7+s6], $0x80, $0x38;
	[tilespmem:$0x1E800] =	vst v63  }
0x13f: {  	s7 =	sadd.s32 $0x340, s3;
	s9 =	sor.u32 $0x1C200, s5  }
0x140: {  	[tilespmem:s9], [sflag:$0x1] =	stream.linear.gather [hbm4b:s7+s6], $0x80, $0x38;
	[tilespmem:$0x1E800] =	vst v63  }
0x141: {  	s7 =	sadd.s32 $0x380, s3;
	s9 =	sor.u32 $0x1C400, s5  }
0x142: {  	[tilespmem:s9], [sflag:$0x1] =	stream.linear.gather [hbm4b:s7+s6], $0x80, $0x38;
	[tilespmem:$0x1E800] =	vst v63  }
0x143: {  	s3 =	sadd.s32 $0x3C0, s3;
	s9 =	sor.u32 $0x1C600, s5  }
0x144: {  	[tilespmem:s9], [sflag:$0x1] =	stream.linear.gather [hbm4b:s3+s6], $0x80, $0x38;
	[tilespmem:$0x1E800] =	vst v63  }
0x145: {  	s4 =	sadd.s32 s2, s16;
	s7 =	sadd.s32 $0x1A880, s5  }
0x146: {  	[tilespmem:s7], [sflag:$0x1] =	stream.linear.gather [hbm4b:s4+s6], $0x80, $0x38;
	[tilespmem:$0x1E800] =	vst v63  }
0x147: {  	s16 =	sadd.s32 $0x1AA80, s5;
	s9 =	sadd.s32 $0x40, s4  }
0x148: {  	[tilespmem:s16], [sflag:$0x1] =	stream.linear.gather [hbm4b:s9+s6], $0x80, $0x38;
	[tilespmem:$0x1E800] =	vst v63  }
0x149: {  	s9 =	sadd.s32 $0x80, s4;
	s16 =	sadd.s32 $0x1AC80, s5  }
0x14a: {  	[tilespmem:s16], [sflag:$0x1] =	stream.linear.gather [hbm4b:s9+s6], $0x80, $0x38;
	[tilespmem:$0x1E800] =	vst v63  }
0x14b: {  	s9 =	sadd.s32 $0xC0, s4;
	s16 =	sadd.s32 $0x1AE80, s5  }
0x14c: {  	[tilespmem:s16], [sflag:$0x1] =	stream.linear.gather [hbm4b:s9+s6], $0x80, $0x38;
	[tilespmem:$0x1E800] =	vst v63  }
0x14d: {  	s9 =	sadd.s32 $0x100, s4;
	s16 =	sadd.s32 $0x1B080, s5  }
0x14e: {  	[tilespmem:s16], [sflag:$0x1] =	stream.linear.gather [hbm4b:s9+s6], $0x80, $0x38;
	[tilespmem:$0x1E800] =	vst v63  }
0x14f: {  	s9 =	sadd.s32 $0x140, s4;
	s16 =	sadd.s32 $0x1B280, s5  }
0x150: {  	[tilespmem:s16], [sflag:$0x1] =	stream.linear.gather [hbm4b:s9+s6], $0x80, $0x38;
	[tilespmem:$0x1E800] =	vst v63  }
0x151: {  	s9 =	sadd.s32 $0x180, s4;
	s16 =	sadd.s32 $0x1B480, s5  }
0x152: {  	[tilespmem:s16], [sflag:$0x1] =	stream.linear.gather [hbm4b:s9+s6], $0x80, $0x38;
	[tilespmem:$0x1E800] =	vst v63  }
0x153: {  	s9 =	sadd.s32 $0x1C0, s4;
	s16 =	sadd.s32 $0x1B680, s5  }
0x154: {  	[tilespmem:s16], [sflag:$0x1] =	stream.linear.gather [hbm4b:s9+s6], $0x80, $0x38;
	[tilespmem:$0x1E800] =	vst v63  }
0x155: {  	s9 =	sadd.s32 $0x200, s4;
	s16 =	sadd.s32 $0x1B880, s5  }
0x156: {  	[tilespmem:s16], [sflag:$0x1] =	stream.linear.gather [hbm4b:s9+s6], $0x80, $0x38;
	[tilespmem:$0x1E800] =	vst v63  }
0x157: {  	s9 =	sadd.s32 $0x240, s4;
	s16 =	sadd.s32 $0x1BA80, s5  }
0x158: {  	[tilespmem:s16], [sflag:$0x1] =	stream.linear.gather [hbm4b:s9+s6], $0x80, $0x38;
	[tilespmem:$0x1E800] =	vst v63  }
0x159: {  	s9 =	sadd.s32 $0x280, s4;
	s16 =	sadd.s32 $0x1BC80, s5  }
0x15a: {  	[tilespmem:s16], [sflag:$0x1] =	stream.linear.gather [hbm4b:s9+s6], $0x80, $0x38;
	[tilespmem:$0x1E800] =	vst v63  }
0x15b: {  	s9 =	sadd.s32 $0x2C0, s4;
	s16 =	sadd.s32 $0x1BE80, s5  }
0x15c: {  	[tilespmem:s16], [sflag:$0x1] =	stream.linear.gather [hbm4b:s9+s6], $0x80, $0x38;
	[tilespmem:$0x1E800] =	vst v63  }
0x15d: {  	s9 =	sadd.s32 $0x300, s4;
	s16 =	sor.u32 $0x1C080, s5  }
0x15e: {  	[tilespmem:s16], [sflag:$0x1] =	stream.linear.gather [hbm4b:s9+s6], $0x80, $0x38;
	[tilespmem:$0x1E800] =	vst v63  }
0x15f: {  	p2 =	slt.u32 s31, $0x2;
	s9 =	sadd.s32 $0x340, s4;
	s16 =	sor.u32 $0x1C280, s5  }
0x160: {  	[tilespmem:s16], [sflag:$0x1] =	stream.linear.gather [hbm4b:s9+s6], $0x80, $0x38;
	[tilespmem:$0x1E800] =	vst v63  }
.Ltmp2:
0x161: {  	_ = 	snop;
	(pc) =	sbr.rel @p2 .LBB2_8-.Ltmp2, $4  }
0x162: {  	s9 =	sadd.s32 $0x380, s4;
	s16 =	sor.u32 $0x1C480, s5  }
0x163: {  	[tilespmem:s16], [sflag:$0x1] =	stream.linear.gather [hbm4b:s9+s6], $0x80, $0x38;
	[tilespmem:$0x1E800] =	vst v63  }
0x164: {  	s9 =	sadd.s32 $0x3C0, s4;
	s16 =	sor.u32 $0x1C680, s5  }
0x165: {  	[tilespmem:s16], [sflag:$0x1] =	stream.linear.gather [hbm4b:s9+s6], $0x80, $0x38;
	[tilespmem:$0x1E800] =	vst v63  }
0x166: {  	s3 =	sand.u32 $0x1, s31  }
0x167: {  	p2 =	seq.s32 s3, $0x0  }
.Ltmp3:
0x168: {  	_ = 	snop;
	(pc) =	sbr.rel @p2 .LBB2_7-.Ltmp3, $4  }
.Ltmp4:
0x169: {  	_ = 	snop;
	(pc) =	sbr.rel @!p2 .LBB2_6-.Ltmp4, $4  }
0x16a: {  	_ = 	snop  }
0x16b: {  	_ = 	snop  }
0x16c: {  	s3 =	simm.s32 $0x2  }
0x16d: {  	_ = 	snop  }
.LBB2_8:
0x16e: {  	s4 =	simm.s32 $0x1  }
0x16f: {  	s4 =	simm.s32 @!p1 $0x0  }
0x170: {  	s3 =	sshll.u32 s4, $0xD  }
0x171: {  	s3 =	sadd.s32 $0x1A800, s3  }
0x172: {  	v0 =	vld [tilespmem:s3+$0xFFFFFF70]  }
0x173: {  	v1 =	vld [tilespmem:s3+$0xFFFFFFF0]  }
0x174: {  	v2 =	vld [tilespmem:s3+$0xFFFFFF80]  }
0x175: {  	v3 =	vld [tilespmem:s3+$0xFFFFFF10]  }
0x176: {  	v4 =	vld [tilespmem:s3+$0xFFFFFF90]  }
0x177: {  	v5 =	vld [tilespmem:s3+$0xFFFFFF20]  }
0x178: {  	v6 =	vld [tilespmem:s3+$0xFFFFFFA0]  }
0x179: {  	v7 =	vld [tilespmem:s3+$0xFFFFFF30]  }
0x17a: {  	v8 =	vld [tilespmem:s3+$0xFFFFFFB0]  }
0x17b: {  	v9 =	vld [tilespmem:s3+$0xFFFFFF40]  }
0x17c: {  	v10 =	vld [tilespmem:s3+$0xFFFFFFC0]  }
0x17d: {  	v11 =	vld [tilespmem:s3+$0xFFFFFF50]  }
0x17e: {  	v12 =	vld [tilespmem:s3+$0xFFFFFFD0]  }
0x17f: {  	v13 =	vld [tilespmem:s3+$0xFFFFFF60]  }
0x180: {  	v14 =	vld [tilespmem:s3+$0xFFFFFF00]  }
0x181: {  	v0 =	vld.idx.msk [tilespmem:v0+s6+$0x0], $0xffff  }
0x182: {  	v1 =	vld.idx.msk [tilespmem:v1+s6+$0x0], $0xffff  }
0x183: {  	v2 =	vld.idx.msk [tilespmem:v2+s6+$0x0], $0xffff  }
0x184: {  	v3 =	vld.idx.msk [tilespmem:v3+s6+$0x0], $0xffff  }
0x185: {  	v4 =	vld.idx.msk [tilespmem:v4+s6+$0x0], $0xffff  }
0x186: {  	v5 =	vld.idx.msk [tilespmem:v5+s6+$0x0], $0xffff  }
0x187: {  	v6 =	vld.idx.msk [tilespmem:v6+s6+$0x0], $0xffff  }
0x188: {  	v14 =	vld.idx.msk [tilespmem:v14+s6+$0x0], $0xffff  }
0x189: {  	v7 =	vld.idx.msk [tilespmem:v7+s6+$0x0], $0xffff  }
0x18a: {  	v8 =	vld.idx.msk [tilespmem:v8+s6+$0x0], $0xffff  }
0x18b: {  	v9 =	vld.idx.msk [tilespmem:v9+s6+$0x0], $0xffff  }
0x18c: {  	v10 =	vld.idx.msk [tilespmem:v10+s6+$0x0], $0xffff  }
0x18d: {  	v11 =	vld.idx.msk [tilespmem:v11+s6+$0x0], $0xffff  }
0x18e: {  	s4 =	sshll.u32 s4, $0xC;
	v12 =	vld.idx.msk [tilespmem:v12+s6+$0x0], $0xffff;
	v0 =	vsub.f32 v0, v1  }
0x18f: {  	s5 =	sor.u32 $0x18780, s4;
	v13 =	vld.idx.msk [tilespmem:v13+s6+$0x0], $0xffff  }
0x190: {  	v1 =	vld [tilespmem:s3+$0xFFFFFFE0];
	v2 =	vsub.f32 v14, v2;
	[tilespmem:s5+$0xFFFFFFF0] =	vst v0  }
0x191: {  	v0 =	vld [tilespmem:s3+$0x70]  }
0x192: {  	v3 =	vsub.f32 v3, v4;
	[tilespmem:s5+$0xFFFFFF80] =	vst v2;
	v15 =	vld [tilespmem:s3+$0xF0]  }
0x193: {  	v2 =	vld [tilespmem:s3+$0x0]  }
0x194: {  	[tilespmem:s5+$0xFFFFFF90] =	vst v3;
	v3 =	vsub.f32 v5, v6;
	v4 =	vld [tilespmem:s3+$0x80]  }
0x195: {  	v5 =	vld [tilespmem:s3+$0x10]  }
0x196: {  	v6 =	vld [tilespmem:s3+$0x90];
	[tilespmem:s5+$0xFFFFFFA0] =	vst v3;
	v3 =	vsub.f32 v7, v8  }
0x197: {  	v7 =	vld [tilespmem:s3+$0x20]  }
0x198: {  	v8 =	vld [tilespmem:s3+$0xA0];
	[tilespmem:s5+$0xFFFFFFB0] =	vst v3  }
0x199: {  	v3 =	vsub.f32 v9, v10;
	v56 =	vld [tilespmem:s3+$0x30]  }
0x19a: {  	v57 =	vld [tilespmem:s3+$0xB0]  }
0x19b: {  	v1 =	vld.idx.msk [tilespmem:v1+s6+$0x0], $0xffff;
	[tilespmem:s5+$0xFFFFFFC0] =	vst v3;
	v3 =	vsub.f32 v11, v12  }
0x19c: {  	v58 =	vld [tilespmem:s3+$0x40]  }
0x19d: {  	[tilespmem:s5+$0xFFFFFFD0] =	vst v3;
	v3 =	vld [tilespmem:s3+$0xC0]  }
0x19e: {  	v0 =	vld.idx.msk [tilespmem:v0+s6+$0x0], $0xffff  }
0x19f: {  	v15 =	vld.idx.msk [tilespmem:v15+s6+$0x0], $0xffff  }
0x1a0: {  	v59 =	vld [tilespmem:s3+$0x50];
	v1 =	vsub.f32 v13, v1  }
0x1a1: {  	v60 =	vld [tilespmem:s3+$0xD0]  }
0x1a2: {  	[tilespmem:s5+$0xFFFFFFE0] =	vst v1;
	v1 =	vld.idx.msk [tilespmem:v2+s6+$0x0], $0xffff  }
0x1a3: {  	v2 =	vld.idx.msk [tilespmem:v4+s6+$0x0], $0xffff  }
0x1a4: {  	v4 =	vld.idx.msk [tilespmem:v5+s6+$0x0], $0xffff  }
0x1a5: {  	v5 =	vld.idx.msk [tilespmem:v6+s6+$0x0], $0xffff  }
0x1a6: {  	v6 =	vld.idx.msk [tilespmem:v7+s6+$0x0], $0xffff  }
0x1a7: {  	v7 =	vld.idx.msk [tilespmem:v8+s6+$0x0], $0xffff  }
0x1a8: {  	v61 =	vld [tilespmem:s3+$0x60]  }
0x1a9: {  	v16 =	vld [tilespmem:s3+$0xE0]  }
0x1aa: {  	v8 =	vld.idx.msk [tilespmem:v56+s6+$0x0], $0xffff  }
0x1ab: {  	v62 =	vld.idx.msk [tilespmem:v57+s6+$0x0], $0xffff  }
0x1ac: {  	v63 =	vsub.f32 v0, v15;
	v0 =	vld.idx.msk [tilespmem:v58+s6+$0x0], $0xffff  }
0x1ad: {  	v3 =	vld.idx.msk [tilespmem:v3+s6+$0x0], $0xffff;
	v2 =	vsub.f32 v1, v2  }
0x1ae: {  	[tilespmem:s5+$0x70] =	vst v63;
	v5 =	vsub.f32 v4, v5;
	v1 =	vld.idx.msk [tilespmem:v59+s6+$0x0], $0xffff  }
0x1af: {  	v6 =	vsub.f32 v6, v7;
	v4 =	vld.idx.msk [tilespmem:v60+s6+$0x0], $0xffff;
	[tilespmem:s5+$0x0] =	vst v2  }
0x1b0: {  	[tilespmem:s5+$0x10] =	vst v5;
	v2 =	vld.idx.msk [tilespmem:v61+s6+$0x0], $0xffff  }
0x1b1: {  	s16 =	simm.s32 $0x0;
	s3 =	sadd.s32 $0x200, s3;
	[tilespmem:s5+$0x20] =	vst v6;
	v6 =	vsub.f32 v8, v62;
	v5 =	vld.idx.msk [tilespmem:v16+s6+$0x0], $0xffff  }
.LBB2_9:
0x1b2: {  	v7 =	vld [tilespmem:s3+$0xFFFFFF70]  }
0x1b3: {  	v0 =	vsub.f32 v0, v3;
	v8 =	vld [tilespmem:s3+$0xFFFFFFF0];
	[tilespmem:s5+$0x30] =	vst v6  }
0x1b4: {  	s16 =	sadd.s32 $0x8, s16;
	v3 =	vld [tilespmem:s3+$0xFFFFFF80]  }
0x1b5: {  	p2 =	slt.u32 s16, $0x78;
	v6 =	vld [tilespmem:s3+$0xFFFFFF10];
	[tilespmem:s5+$0x40] =	vst v0;
	v0 =	vsub.f32 v1, v4  }
0x1b6: {  	v1 =	vld [tilespmem:s3+$0xFFFFFF90]  }
0x1b7: {  	v4 =	vld [tilespmem:s3+$0xFFFFFF20];
	[tilespmem:s5+$0x50] =	vst v0;
	v0 =	vsub.f32 v2, v5  }
0x1b8: {  	v2 =	vld [tilespmem:s3+$0xFFFFFFA0]  }
0x1b9: {  	v5 =	vld [tilespmem:s3+$0xFFFFFF30];
	[tilespmem:s5+$0x60] =	vst v0  }
0x1ba: {  	v0 =	vld.idx.msk [tilespmem:v7+s6+$0x0], $0xffff  }
0x1bb: {  	v7 =	vld.idx.msk [tilespmem:v8+s6+$0x0], $0xffff  }
0x1bc: {  	v8 =	vld [tilespmem:s3+$0xFFFFFFB0]  }
0x1bd: {  	v9 =	vld [tilespmem:s3+$0xFFFFFF40]  }
0x1be: {  	v10 =	vld [tilespmem:s3+$0xFFFFFFC0]  }
0x1bf: {  	v11 =	vld [tilespmem:s3+$0xFFFFFF50]  }
0x1c0: {  	v12 =	vld [tilespmem:s3+$0xFFFFFFD0]  }
0x1c1: {  	v0 =	vsub.f32 v0, v7;
	v13 =	vld [tilespmem:s3+$0xFFFFFF60]  }
0x1c2: {  	s5 =	sadd.s32 $0x100, s5;
	v7 =	vld [tilespmem:s3+$0xFFFFFFE0]  }
0x1c3: {  	v14 =	vld [tilespmem:s3+$0xFFFFFF00];
	[tilespmem:s5+$0xFFFFFFF0] =	vst v0  }
0x1c4: {  	v0 =	vld [tilespmem:s3+$0x70]  }
0x1c5: {  	v15 =	vld [tilespmem:s3+$0xF0]  }
0x1c6: {  	v3 =	vld.idx.msk [tilespmem:v3+s6+$0x0], $0xffff  }
0x1c7: {  	v6 =	vld.idx.msk [tilespmem:v6+s6+$0x0], $0xffff  }
0x1c8: {  	v1 =	vld.idx.msk [tilespmem:v1+s6+$0x0], $0xffff  }
0x1c9: {  	v4 =	vld.idx.msk [tilespmem:v4+s6+$0x0], $0xffff  }
0x1ca: {  	v2 =	vld.idx.msk [tilespmem:v2+s6+$0x0], $0xffff  }
0x1cb: {  	v14 =	vld.idx.msk [tilespmem:v14+s6+$0x0], $0xffff  }
0x1cc: {  	v0 =	vld.idx.msk [tilespmem:v0+s6+$0x0], $0xffff  }
0x1cd: {  	v15 =	vld.idx.msk [tilespmem:v15+s6+$0x0], $0xffff  }
0x1ce: {  	v1 =	vsub.f32 v6, v1;
	v5 =	vld.idx.msk [tilespmem:v5+s6+$0x0], $0xffff  }
0x1cf: {  	v6 =	vld.idx.msk [tilespmem:v8+s6+$0x0], $0xffff  }
0x1d0: {  	[tilespmem:s5+$0xFFFFFF90] =	vst v1;
	v1 =	vsub.f32 v4, v2;
	v2 =	vld.idx.msk [tilespmem:v9+s6+$0x0], $0xffff  }
0x1d1: {  	v3 =	vsub.f32 v14, v3;
	v4 =	vld.idx.msk [tilespmem:v10+s6+$0x0], $0xffff  }
0x1d2: {  	[tilespmem:s5+$0xFFFFFFA0] =	vst v1;
	v1 =	vld.idx.msk [tilespmem:v11+s6+$0x0], $0xffff  }
0x1d3: {  	v0 =	vsub.f32 v0, v15;
	[tilespmem:s5+$0xFFFFFF80] =	vst v3;
	v3 =	vld.idx.msk [tilespmem:v12+s6+$0x0], $0xffff  }
0x1d4: {  	v8 =	vld.idx.msk [tilespmem:v13+s6+$0x0], $0xffff  }
0x1d5: {  	v5 =	vsub.f32 v5, v6;
	v6 =	vld.idx.msk [tilespmem:v7+s6+$0x0], $0xffff;
	[tilespmem:s5+$0x70] =	vst v0  }
0x1d6: {  	v0 =	vld [tilespmem:s3+$0x0]  }
0x1d7: {  	v2 =	vsub.f32 v2, v4;
	v7 =	vld [tilespmem:s3+$0x80];
	[tilespmem:s5+$0xFFFFFFB0] =	vst v5  }
0x1d8: {  	v4 =	vld [tilespmem:s3+$0x10]  }
0x1d9: {  	v1 =	vsub.f32 v1, v3;
	v5 =	vld [tilespmem:s3+$0x90];
	[tilespmem:s5+$0xFFFFFFC0] =	vst v2  }
0x1da: {  	v2 =	vld [tilespmem:s3+$0x20]  }
0x1db: {  	v3 =	vld [tilespmem:s3+$0xA0];
	[tilespmem:s5+$0xFFFFFFD0] =	vst v1;
	v1 =	vsub.f32 v8, v6  }
0x1dc: {  	v6 =	vld [tilespmem:s3+$0x30]  }
0x1dd: {  	v8 =	vld [tilespmem:s3+$0xB0];
	[tilespmem:s5+$0xFFFFFFE0] =	vst v1  }
0x1de: {  	v1 =	vld [tilespmem:s3+$0x40]  }
0x1df: {  	v9 =	vld [tilespmem:s3+$0xC0]  }
0x1e0: {  	v10 =	vld [tilespmem:s3+$0x50]  }
0x1e1: {  	v11 =	vld [tilespmem:s3+$0xD0]  }
0x1e2: {  	v12 =	vld [tilespmem:s3+$0x60]  }
0x1e3: {  	v13 =	vld [tilespmem:s3+$0xE0]  }
0x1e4: {  	v0 =	vld.idx.msk [tilespmem:v0+s6+$0x0], $0xffff  }
0x1e5: {  	v7 =	vld.idx.msk [tilespmem:v7+s6+$0x0], $0xffff  }
0x1e6: {  	v4 =	vld.idx.msk [tilespmem:v4+s6+$0x0], $0xffff  }
0x1e7: {  	v5 =	vld.idx.msk [tilespmem:v5+s6+$0x0], $0xffff  }
0x1e8: {  	v2 =	vld.idx.msk [tilespmem:v2+s6+$0x0], $0xffff  }
0x1e9: {  	v14 =	vld.idx.msk [tilespmem:v3+s6+$0x0], $0xffff  }
0x1ea: {  	v6 =	vld.idx.msk [tilespmem:v6+s6+$0x0], $0xffff  }
0x1eb: {  	v3 =	vsub.f32 v0, v7;
	v7 =	vld.idx.msk [tilespmem:v8+s6+$0x0], $0xffff  }
0x1ec: {  	v0 =	vld.idx.msk [tilespmem:v1+s6+$0x0], $0xffff  }
.Ltmp5:
0x1ed: {  	v4 =	vsub.f32 v4, v5;
	[tilespmem:s5+$0x0] =	vst v3;
	v3 =	vld.idx.msk [tilespmem:v9+s6+$0x0], $0xffff;
	(pc) =	sbr.rel @p2 .LBB2_9-.Ltmp5, $4  }
0x1ee: {  	v1 =	vld.idx.msk [tilespmem:v10+s6+$0x0], $0xffff  }
0x1ef: {  	v5 =	vsub.f32 v2, v14;
	[tilespmem:s5+$0x10] =	vst v4;
	v4 =	vld.idx.msk [tilespmem:v11+s6+$0x0], $0xffff  }
0x1f0: {  	v2 =	vld.idx.msk [tilespmem:v12+s6+$0x0], $0xffff  }
0x1f1: {  	s3 =	sadd.s32 $0x200, s3;
	v6 =	vsub.f32 v6, v7;
	[tilespmem:s5+$0x20] =	vst v5;
	v5 =	vld.idx.msk [tilespmem:v13+s6+$0x0], $0xffff  }
0x1f2: {  	_ =	sdelay $0x1  }
0x1f3: {  	v0 =	vsub.f32 v0, v3  }
0x1f4: {  	[tilespmem:s5+$0x30] =	vst v6;
	v1 =	vsub.f32 v1, v4  }
0x1f5: {  	s3 =	sand.u32 $0x1, s31;
	[tilespmem:s5+$0x40] =	vst v0;
	v63 =	vsub.f32 v2, v5  }
0x1f6: {  	s16 =	sshll.u32 s31, $0x9;
	p2 =	seq.s32 s3, $0x1;
	[tilespmem:s5+$0x50] =	vst v1  }
0x1f7: {  	s3 =	sadd.s32 s16, s12;
	s4 =	simm.s32 @p2 $0x0;
	[tilespmem:s5+$0x60] =	vst v63;
	s5 =	simm.s32 @p2 $0x19700  }
0x1f8: {  	[hbm4b:s3+s4] =	stream.linear.scatter @p2 [tilespmem:s5], [sflag:$0x3], $0x1000, $0x38;
	[tilespmem:$0x1E800] =	vst v63  }
0x1f9: {  	s4 =	simm.s32 @!p2 $0x0;
	s5 =	simm.s32 @!p2 $0x18700  }
0x1fa: {  	[hbm4b:s3+s4] =	stream.linear.scatter @!p2 [tilespmem:s5], [sflag:$0x2], $0x1000, $0x38;
	[tilespmem:$0x1E800] =	vst v63  }
0x1fb: {  	p2 =	sne.s32 s0, $0x8  }
.Ltmp6:
0x1fc: {  	_ = 	snop;
	(pc) =	sbr.rel @p2 .LBB2_3-.Ltmp6, $2  }
0x1fd: {  	_ =	sdelay $0x2  }
0x1fe: {  	p1 =	por !p1, !p1;
	s31 =	smov.u32 s0  }
0x1ff: {  	_ =	swait.ge [sflag:s26], $0x1000  }
0x200: {  	[sflag:s26] =	ssyncset.done $0x0  }
0x201: {  	[sflag:s26] =	ssyncadd.s32 $0xFFFFF000  }
0x202: {  	_ =	swait.ge [sflag:s28], $0x1000  }
0x203: {  	[sflag:s28] =	ssyncset.done $0x0  }
0x204: {  	s0 =	simm.s32 $0x0;
	s3 =	simm.s32 $0x1A700;
	[sflag:s28] =	ssyncadd.s32 $0xFFFFF000  }
0x205: {  	[tilespmem:s3], [sflag:$0x1] =	stream.linear.gather [hbm4b:s13+s0], $0x80, $0x38;
	[tilespmem:$0x1E800] =	vst v63  }
0x206: {  	s5 =	sadd.s32 $0x40, s13;
	s4 =	simm.s32 $0x1A900  }
0x207: {  	[tilespmem:s4], [sflag:$0x1] =	stream.linear.gather [hbm4b:s5+s0], $0x80, $0x38;
	[tilespmem:$0x1E800] =	vst v63  }
0x208: {  	s7 =	sadd.s32 $0x80, s13;
	s9 =	simm.s32 $0x1AB00  }
0x209: {  	[tilespmem:s9], [sflag:$0x1] =	stream.linear.gather [hbm4b:s7+s0], $0x80, $0x38;
	[tilespmem:$0x1E800] =	vst v63  }
0x20a: {  	s16 =	sadd.s32 $0xC0, s13;
	s31 =	simm.s32 $0x1AD00  }
0x20b: {  	[tilespmem:s31], [sflag:$0x1] =	stream.linear.gather [hbm4b:s16+s0], $0x80, $0x38;
	[tilespmem:$0x1E800] =	vst v63  }
0x20c: {  	s4 =	sadd.s32 $0x100, s13;
	s5 =	simm.s32 $0x1AF00  }
0x20d: {  	[tilespmem:s5], [sflag:$0x1] =	stream.linear.gather [hbm4b:s4+s0], $0x80, $0x38;
	[tilespmem:$0x1E800] =	vst v63  }
0x20e: {  	s7 =	sadd.s32 $0x140, s13;
	s9 =	simm.s32 $0x1B100  }
0x20f: {  	[tilespmem:s9], [sflag:$0x1] =	stream.linear.gather [hbm4b:s7+s0], $0x80, $0x38;
	[tilespmem:$0x1E800] =	vst v63  }
0x210: {  	s16 =	sadd.s32 $0x180, s13;
	s31 =	simm.s32 $0x1B300  }
0x211: {  	[tilespmem:s31], [sflag:$0x1] =	stream.linear.gather [hbm4b:s16+s0], $0x80, $0x38;
	[tilespmem:$0x1E800] =	vst v63  }
0x212: {  	s4 =	sadd.s32 $0x1C0, s13;
	s5 =	simm.s32 $0x1B500  }
0x213: {  	[tilespmem:s5], [sflag:$0x1] =	stream.linear.gather [hbm4b:s4+s0], $0x80, $0x38;
	[tilespmem:$0x1E800] =	vst v63  }
0x214: {  	s7 =	sadd.s32 $0x200, s13;
	s9 =	simm.s32 $0x1B700  }
0x215: {  	[tilespmem:s9], [sflag:$0x1] =	stream.linear.gather [hbm4b:s7+s0], $0x80, $0x38;
	[tilespmem:$0x1E800] =	vst v63  }
0x216: {  	s16 =	sadd.s32 $0x240, s13;
	s31 =	simm.s32 $0x1B900  }
0x217: {  	[tilespmem:s31], [sflag:$0x1] =	stream.linear.gather [hbm4b:s16+s0], $0x80, $0x38;
	[tilespmem:$0x1E800] =	vst v63  }
0x218: {  	s4 =	sadd.s32 $0x280, s13;
	s5 =	simm.s32 $0x1BB00  }
0x219: {  	[tilespmem:s5], [sflag:$0x1] =	stream.linear.gather [hbm4b:s4+s0], $0x80, $0x38;
	[tilespmem:$0x1E800] =	vst v63  }
0x21a: {  	s7 =	sadd.s32 $0x2C0, s13;
	s9 =	simm.s32 $0x1BD00  }
0x21b: {  	[tilespmem:s9], [sflag:$0x1] =	stream.linear.gather [hbm4b:s7+s0], $0x80, $0x38;
	[tilespmem:$0x1E800] =	vst v63  }
0x21c: {  	s16 =	sadd.s32 $0x300, s13;
	s31 =	simm.s32 $0x1BF00  }
0x21d: {  	[tilespmem:s31], [sflag:$0x1] =	stream.linear.gather [hbm4b:s16+s0], $0x80, $0x38;
	[tilespmem:$0x1E800] =	vst v63  }
0x21e: {  	s4 =	sadd.s32 $0x340, s13;
	s5 =	simm.s32 $0x1C100  }
0x21f: {  	[tilespmem:s5], [sflag:$0x1] =	stream.linear.gather [hbm4b:s4+s0], $0x80, $0x38;
	[tilespmem:$0x1E800] =	vst v63  }
0x220: {  	s7 =	sadd.s32 $0x380, s13;
	s9 =	simm.s32 $0x1C300  }
0x221: {  	[tilespmem:s9], [sflag:$0x1] =	stream.linear.gather [hbm4b:s7+s0], $0x80, $0x38;
	[tilespmem:$0x1E800] =	vst v63  }
0x222: {  	s16 =	sadd.s32 $0x3C0, s13;
	s31 =	simm.s32 $0x1C500  }
0x223: {  	[tilespmem:s31], [sflag:$0x1] =	stream.linear.gather [hbm4b:s16+s0], $0x80, $0x38;
	[tilespmem:$0x1E800] =	vst v63  }
0x224: {  	s5 =	simm.s32 $0x1A780  }
0x225: {  	[tilespmem:s5], [sflag:$0x1] =	stream.linear.gather [hbm4b:s14+s0], $0x80, $0x38;
	[tilespmem:$0x1E800] =	vst v63  }
0x226: {  	s7 =	sadd.s32 $0x40, s14;
	s9 =	simm.s32 $0x1A980  }
0x227: {  	[tilespmem:s9], [sflag:$0x1] =	stream.linear.gather [hbm4b:s7+s0], $0x80, $0x38;
	[tilespmem:$0x1E800] =	vst v63  }
0x228: {  	s16 =	sadd.s32 $0x80, s14;
	s31 =	simm.s32 $0x1AB80  }
0x229: {  	[tilespmem:s31], [sflag:$0x1] =	stream.linear.gather [hbm4b:s16+s0], $0x80, $0x38;
	[tilespmem:$0x1E800] =	vst v63  }
0x22a: {  	s4 =	sadd.s32 $0xC0, s14;
	s5 =	simm.s32 $0x1AD80  }
0x22b: {  	[tilespmem:s5], [sflag:$0x1] =	stream.linear.gather [hbm4b:s4+s0], $0x80, $0x38;
	[tilespmem:$0x1E800] =	vst v63  }
0x22c: {  	s7 =	sadd.s32 $0x100, s14;
	s9 =	simm.s32 $0x1AF80  }
0x22d: {  	[tilespmem:s9], [sflag:$0x1] =	stream.linear.gather [hbm4b:s7+s0], $0x80, $0x38;
	[tilespmem:$0x1E800] =	vst v63  }
0x22e: {  	s16 =	sadd.s32 $0x140, s14;
	s31 =	simm.s32 $0x1B180  }
0x22f: {  	[tilespmem:s31], [sflag:$0x1] =	stream.linear.gather [hbm4b:s16+s0], $0x80, $0x38;
	[tilespmem:$0x1E800] =	vst v63  }
0x230: {  	s4 =	sadd.s32 $0x180, s14;
	s5 =	simm.s32 $0x1B380  }
0x231: {  	[tilespmem:s5], [sflag:$0x1] =	stream.linear.gather [hbm4b:s4+s0], $0x80, $0x38;
	[tilespmem:$0x1E800] =	vst v63  }
0x232: {  	s7 =	sadd.s32 $0x1C0, s14;
	s9 =	simm.s32 $0x1B580  }
0x233: {  	[tilespmem:s9], [sflag:$0x1] =	stream.linear.gather [hbm4b:s7+s0], $0x80, $0x38;
	[tilespmem:$0x1E800] =	vst v63  }
0x234: {  	s16 =	sadd.s32 $0x200, s14;
	s31 =	simm.s32 $0x1B780  }
0x235: {  	[tilespmem:s31], [sflag:$0x1] =	stream.linear.gather [hbm4b:s16+s0], $0x80, $0x38;
	[tilespmem:$0x1E800] =	vst v63  }
0x236: {  	s4 =	sadd.s32 $0x240, s14;
	s5 =	simm.s32 $0x1B980  }
0x237: {  	[tilespmem:s5], [sflag:$0x1] =	stream.linear.gather [hbm4b:s4+s0], $0x80, $0x38;
	[tilespmem:$0x1E800] =	vst v63  }
0x238: {  	s7 =	sadd.s32 $0x280, s14  }
0x239: {  	[tilespmem:s10], [sflag:$0x1] =	stream.linear.gather [hbm4b:s7+s0], $0x80, $0x38;
	[tilespmem:$0x1E800] =	vst v63  }
0x23a: {  	s9 =	sadd.s32 $0x2C0, s14  }
0x23b: {  	[tilespmem:s15], [sflag:$0x1] =	stream.linear.gather [hbm4b:s9+s0], $0x80, $0x38;
	[tilespmem:$0x1E800] =	vst v63  }
0x23c: {  	s16 =	sadd.s32 $0x300, s14  }
0x23d: {  	[tilespmem:s17], [sflag:$0x1] =	stream.linear.gather [hbm4b:s16+s0], $0x80, $0x38;
	[tilespmem:$0x1E800] =	vst v63  }
0x23e: {  	s31 =	sadd.s32 $0x340, s14  }
0x23f: {  	[tilespmem:s18], [sflag:$0x1] =	stream.linear.gather [hbm4b:s31+s0], $0x80, $0x38;
	[tilespmem:$0x1E800] =	vst v63  }
0x240: {  	s4 =	sadd.s32 $0x380, s14  }
0x241: {  	[tilespmem:s19], [sflag:$0x1] =	stream.linear.gather [hbm4b:s4+s0], $0x80, $0x38;
	[tilespmem:$0x1E800] =	vst v63  }
0x242: {  	s5 =	sadd.s32 $0x3C0, s14  }
0x243: {  	[tilespmem:s20], [sflag:$0x1] =	stream.linear.gather [hbm4b:s5+s0], $0x80, $0x38;
	[tilespmem:$0x1E800] =	vst v63  }
0x244: {  	s7 =	simm.s32 $0x18700;
	s9 =	rddreg [dreg:$0x9]  }
0x245: {  	[tilespmem:s7], [sflag:$0x2] =	stream.linear.gather [hbm4b:s12+s0], $0x1000, $0x38;
	[tilespmem:$0x1E800] =	vst v63  }
0x246: {  	s16 =	simm.s32 $0x19700;
	s31 =	rddreg [dreg:$0x3]  }
0x247: {  	[tilespmem:s16], [sflag:$0x3] =	stream.linear.gather [hbm4b:s9+s0], $0x1000, $0x38;
	[tilespmem:$0x1E800] =	vst v63  }
0x248: {  	s3 =	sadd.s32 s31, s30  }
0x249: {  	[tilespmem:s0], [sflag:$0x4] =	stream.strided.gather [hbm4b:s3+s21], $0x18700, s22, s21, $0x38;
	[tilespmem:$0x1E800] =	vst v63  }
0x24a: {  	_ =	swait.ge [sflag:s23], $0x18700  }
0x24b: {  	[sflag:s23] =	ssyncset.done $0x0  }
0x24c: {  	v5 =	vimm.f32 $0.0e+00;
	p1 =	por $0x0, $0x0;
	v6 =	vimm.f32 $0.0e+00;
	[sflag:s23] =	ssyncadd.s32 $0xFFFE7900  }
.LBB2_12:
0x24d: {  	_ =	swait.ge [sflag:s24], $0x800;
	p2 =	seq.s32 s0, $0x7  }
.Ltmp7:
0x24e: {  	[sflag:s24] =	ssyncset.done $0x0;
	(pc) =	sbr.rel @p2 .LBB2_15-.Ltmp7, $4  }
0x24f: {  	[sflag:s24] =	ssyncadd.s32 $0xFFFFF800  }
0x250: {  	_ =	swait.ge [sflag:s24], $0x800  }
0x251: {  	[sflag:s24] =	ssyncset.done $0x0  }
0x252: {  	s30 =	sadd.s32 $0x1, s0;
	[sflag:s24] =	ssyncadd.s32 $0xFFFFF800  }
0x253: {  	s3 =	sshll.u32 s30, $0xD;
	s4 =	sshll.u32 s30, $0xA  }
0x254: {  	s3 =	sand.u32 $0x2000, s3;
	s4 =	sor.u32 $0x10, s4  }
0x255: {  	s5 =	sadd.s32 $0x1A700, s3;
	s7 =	sadd.s32 s1, s4  }
0x256: {  	[tilespmem:s5], [sflag:$0x1] =	stream.linear.gather [hbm4b:s7+s6], $0x80, $0x38;
	[tilespmem:$0x1E800] =	vst v63  }
0x257: {  	s9 =	sadd.s32 $0x1A900, s3;
	s31 =	sadd.s32 $0x40, s7  }
0x258: {  	[tilespmem:s9], [sflag:$0x1] =	stream.linear.gather [hbm4b:s31+s6], $0x80, $0x38;
	[tilespmem:$0x1E800] =	vst v63  }
0x259: {  	s16 =	sadd.s32 $0x80, s7;
	s31 =	sadd.s32 $0x1AB00, s3  }
0x25a: {  	[tilespmem:s31], [sflag:$0x1] =	stream.linear.gather [hbm4b:s16+s6], $0x80, $0x38;
	[tilespmem:$0x1E800] =	vst v63  }
0x25b: {  	s16 =	sadd.s32 $0xC0, s7;
	s31 =	sadd.s32 $0x1AD00, s3  }
0x25c: {  	[tilespmem:s31], [sflag:$0x1] =	stream.linear.gather [hbm4b:s16+s6], $0x80, $0x38;
	[tilespmem:$0x1E800] =	vst v63  }
0x25d: {  	s16 =	sadd.s32 $0x100, s7;
	s31 =	sadd.s32 $0x1AF00, s3  }
0x25e: {  	[tilespmem:s31], [sflag:$0x1] =	stream.linear.gather [hbm4b:s16+s6], $0x80, $0x38;
	[tilespmem:$0x1E800] =	vst v63  }
0x25f: {  	s16 =	sadd.s32 $0x140, s7;
	s31 =	sadd.s32 $0x1B100, s3  }
0x260: {  	[tilespmem:s31], [sflag:$0x1] =	stream.linear.gather [hbm4b:s16+s6], $0x80, $0x38;
	[tilespmem:$0x1E800] =	vst v63  }
0x261: {  	s16 =	sadd.s32 $0x180, s7;
	s31 =	sadd.s32 $0x1B300, s3  }
0x262: {  	[tilespmem:s31], [sflag:$0x1] =	stream.linear.gather [hbm4b:s16+s6], $0x80, $0x38;
	[tilespmem:$0x1E800] =	vst v63  }
0x263: {  	s16 =	sadd.s32 $0x1C0, s7;
	s31 =	sadd.s32 $0x1B500, s3  }
0x264: {  	[tilespmem:s31], [sflag:$0x1] =	stream.linear.gather [hbm4b:s16+s6], $0x80, $0x38;
	[tilespmem:$0x1E800] =	vst v63  }
0x265: {  	s16 =	sadd.s32 $0x200, s7;
	s31 =	sadd.s32 $0x1B700, s3  }
0x266: {  	[tilespmem:s31], [sflag:$0x1] =	stream.linear.gather [hbm4b:s16+s6], $0x80, $0x38;
	[tilespmem:$0x1E800] =	vst v63  }
0x267: {  	s16 =	sadd.s32 $0x240, s7;
	s31 =	sadd.s32 $0x1B900, s3  }
0x268: {  	[tilespmem:s31], [sflag:$0x1] =	stream.linear.gather [hbm4b:s16+s6], $0x80, $0x38;
	[tilespmem:$0x1E800] =	vst v63  }
0x269: {  	s16 =	sadd.s32 $0x280, s7;
	s31 =	sadd.s32 $0x1BB00, s3  }
0x26a: {  	[tilespmem:s31], [sflag:$0x1] =	stream.linear.gather [hbm4b:s16+s6], $0x80, $0x38;
	[tilespmem:$0x1E800] =	vst v63  }
0x26b: {  	s16 =	sadd.s32 $0x2C0, s7;
	s31 =	sadd.s32 $0x1BD00, s3  }
0x26c: {  	[tilespmem:s31], [sflag:$0x1] =	stream.linear.gather [hbm4b:s16+s6], $0x80, $0x38;
	[tilespmem:$0x1E800] =	vst v63  }
0x26d: {  	s16 =	sadd.s32 $0x300, s7;
	s31 =	sadd.s32 $0x1BF00, s3  }
0x26e: {  	[tilespmem:s31], [sflag:$0x1] =	stream.linear.gather [hbm4b:s16+s6], $0x80, $0x38;
	[tilespmem:$0x1E800] =	vst v63  }
0x26f: {  	s16 =	sadd.s32 $0x340, s7;
	s31 =	sor.u32 $0x1C100, s3  }
0x270: {  	[tilespmem:s31], [sflag:$0x1] =	stream.linear.gather [hbm4b:s16+s6], $0x80, $0x38;
	[tilespmem:$0x1E800] =	vst v63  }
0x271: {  	s16 =	sadd.s32 $0x380, s7;
	s31 =	sor.u32 $0x1C300, s3  }
0x272: {  	[tilespmem:s31], [sflag:$0x1] =	stream.linear.gather [hbm4b:s16+s6], $0x80, $0x38;
	[tilespmem:$0x1E800] =	vst v63  }
0x273: {  	s16 =	sadd.s32 $0x3C0, s7;
	s31 =	sor.u32 $0x1C500, s3  }
0x274: {  	[tilespmem:s31], [sflag:$0x1] =	stream.linear.gather [hbm4b:s16+s6], $0x80, $0x38;
	[tilespmem:$0x1E800] =	vst v63  }
0x275: {  	s4 =	sadd.s32 s2, s4;
	s9 =	sadd.s32 $0x1A780, s3  }
0x276: {  	[tilespmem:s9], [sflag:$0x1] =	stream.linear.gather [hbm4b:s4+s6], $0x80, $0x38;
	[tilespmem:$0x1E800] =	vst v63  }
0x277: {  	s16 =	sadd.s32 $0x40, s4;
	s31 =	sadd.s32 $0x1A980, s3  }
0x278: {  	[tilespmem:s31], [sflag:$0x1] =	stream.linear.gather [hbm4b:s16+s6], $0x80, $0x38;
	[tilespmem:$0x1E800] =	vst v63  }
0x279: {  	s7 =	sadd.s32 $0x80, s4;
	s9 =	sadd.s32 $0x1AB80, s3  }
0x27a: {  	[tilespmem:s9], [sflag:$0x1] =	stream.linear.gather [hbm4b:s7+s6], $0x80, $0x38;
	[tilespmem:$0x1E800] =	vst v63  }
0x27b: {  	s16 =	sadd.s32 $0xC0, s4;
	s31 =	sadd.s32 $0x1AD80, s3  }
0x27c: {  	[tilespmem:s31], [sflag:$0x1] =	stream.linear.gather [hbm4b:s16+s6], $0x80, $0x38;
	[tilespmem:$0x1E800] =	vst v63  }
0x27d: {  	s7 =	sadd.s32 $0x100, s4;
	s9 =	sadd.s32 $0x1AF80, s3  }
0x27e: {  	[tilespmem:s9], [sflag:$0x1] =	stream.linear.gather [hbm4b:s7+s6], $0x80, $0x38;
	[tilespmem:$0x1E800] =	vst v63  }
0x27f: {  	s16 =	sadd.s32 $0x140, s4;
	s31 =	sadd.s32 $0x1B180, s3  }
0x280: {  	[tilespmem:s31], [sflag:$0x1] =	stream.linear.gather [hbm4b:s16+s6], $0x80, $0x38;
	[tilespmem:$0x1E800] =	vst v63  }
0x281: {  	s7 =	sadd.s32 $0x180, s4;
	s9 =	sadd.s32 $0x1B380, s3  }
0x282: {  	[tilespmem:s9], [sflag:$0x1] =	stream.linear.gather [hbm4b:s7+s6], $0x80, $0x38;
	[tilespmem:$0x1E800] =	vst v63  }
0x283: {  	s16 =	sadd.s32 $0x1C0, s4;
	s31 =	sadd.s32 $0x1B580, s3  }
0x284: {  	[tilespmem:s31], [sflag:$0x1] =	stream.linear.gather [hbm4b:s16+s6], $0x80, $0x38;
	[tilespmem:$0x1E800] =	vst v63  }
0x285: {  	s7 =	sadd.s32 $0x200, s4;
	s9 =	sadd.s32 $0x1B780, s3  }
0x286: {  	[tilespmem:s9], [sflag:$0x1] =	stream.linear.gather [hbm4b:s7+s6], $0x80, $0x38;
	[tilespmem:$0x1E800] =	vst v63  }
0x287: {  	s16 =	sadd.s32 $0x240, s4;
	s31 =	sadd.s32 $0x1B980, s3  }
0x288: {  	[tilespmem:s31], [sflag:$0x1] =	stream.linear.gather [hbm4b:s16+s6], $0x80, $0x38;
	[tilespmem:$0x1E800] =	vst v63  }
0x289: {  	s7 =	sadd.s32 $0x280, s4;
	s9 =	sadd.s32 $0x1BB80, s3  }
0x28a: {  	[tilespmem:s9], [sflag:$0x1] =	stream.linear.gather [hbm4b:s7+s6], $0x80, $0x38;
	[tilespmem:$0x1E800] =	vst v63  }
0x28b: {  	s16 =	sadd.s32 $0x2C0, s4;
	s31 =	sadd.s32 $0x1BD80, s3  }
0x28c: {  	[tilespmem:s31], [sflag:$0x1] =	stream.linear.gather [hbm4b:s16+s6], $0x80, $0x38;
	[tilespmem:$0x1E800] =	vst v63  }
0x28d: {  	s7 =	sadd.s32 $0x300, s4;
	s9 =	sadd.s32 $0x1BF80, s3  }
0x28e: {  	[tilespmem:s9], [sflag:$0x1] =	stream.linear.gather [hbm4b:s7+s6], $0x80, $0x38;
	[tilespmem:$0x1E800] =	vst v63  }
0x28f: {  	s16 =	sadd.s32 $0x340, s4;
	s31 =	sor.u32 $0x1C180, s3  }
0x290: {  	[tilespmem:s31], [sflag:$0x1] =	stream.linear.gather [hbm4b:s16+s6], $0x80, $0x38;
	[tilespmem:$0x1E800] =	vst v63  }
0x291: {  	s31 =	sand.u32 $0x1, s0  }
0x292: {  	p2 =	seq.s32 s31, $0x0  }
.Ltmp8:
0x293: {  	_ = 	snop;
	(pc) =	sbr.rel @p2 .LBB2_14-.Ltmp8, $4  }
0x294: {  	s9 =	sadd.s32 $0x380, s4;
	s16 =	sor.u32 $0x1C380, s3  }
0x295: {  	[tilespmem:s16], [sflag:$0x1] =	stream.linear.gather [hbm4b:s9+s6], $0x80, $0x38;
	[tilespmem:$0x1E800] =	vst v63  }
0x296: {  	s4 =	sadd.s32 $0x3C0, s4;
	s3 =	sor.u32 $0x1C580, s3  }
0x297: {  	[tilespmem:s3], [sflag:$0x1] =	stream.linear.gather [hbm4b:s4+s6], $0x80, $0x38;
	[tilespmem:$0x1E800] =	vst v63  }
.LBB2_15:
.Ltmp9:
0x298: {  	(pc) =	sbr.rel .LBB2_16-.Ltmp9, $2  }
0x299: {  	_ =	sdelay $0x2  }
0x29a: {  	p2 =	por $0x0, $0x0;
	s3 =	simm.s32 $0x3  }
.LBB2_14:
0x29b: {  	p2 =	por $0x1, $0x1;
	s3 =	simm.s32 $0x2  }
.LBB2_16:
0x29c: {  	s4 =	simm.s32 $0x1  }
0x29d: {  	_ =	swait.ge [sflag:s3], $0x1000;
	s4 =	simm.s32 @!p1 $0x0  }
0x29e: {  	[sflag:s3] =	ssyncset.done $0x0;
	s5 =	sshll.u32 s4, $0xC  }
0x29f: {  	[sflag:s3] =	ssyncadd.s32 $0xFFFFF000;
	s16 =	sor.u32 $0x18780, s5  }
0x2a0: {  	v0 =	vld [tilespmem:s16+$0xFFFFFFF0]  }
0x2a1: {  	v2 =	vld [tilespmem:s16+$0xFFFFFFE0]  }
0x2a2: {  	v1 =	vld [tilespmem:s16+$0x60]  }
0x2a3: {  	v3 =	vld [tilespmem:s16+$0xFFFFFFD0]  }
0x2a4: {  	v4 =	vld [tilespmem:s16+$0x50]  }
0x2a5: {  	v8 =	vld [tilespmem:s16+$0xFFFFFFC0]  }
0x2a6: {  	v11 =	vld [tilespmem:s16+$0x40]  }
0x2a7: {  	s31 =	sshll.u32 s4, $0xD;
	v10 =	vld [tilespmem:s16+$0xFFFFFFB0]  }
0x2a8: {  	s5 =	sadd.s32 $0x1A780, s31;
	v12 =	vld [tilespmem:s16+$0x30]  }
0x2a9: {  	v13 =	vld [tilespmem:s5+$0xFFFFFFF0]  }
0x2aa: {  	v14 =	vld [tilespmem:s5+$0x70]  }
0x2ab: {  	v9 =	vld [tilespmem:s16+$0xFFFFFFA0]  }
0x2ac: {  	v15 =	vld [tilespmem:s16+$0x20]  }
0x2ad: {  	v16 =	vld [tilespmem:s5+$0xFFFFFFE0]  }
0x2ae: {  	v17 =	vld [tilespmem:s5+$0x60]  }
0x2af: {  	v7 =	vld [tilespmem:s16+$0xFFFFFF90]  }
0x2b0: {  	v18 =	vld [tilespmem:s16+$0x10]  }
0x2b1: {  	v19 =	vld [tilespmem:s5+$0xFFFFFFD0]  }
0x2b2: {  	v20 =	vld [tilespmem:s5+$0x50]  }
0x2b3: {  	v21 =	vld [tilespmem:s16+$0xFFFFFF80]  }
0x2b4: {  	v22 =	vld [tilespmem:s16+$0x0]  }
0x2b5: {  	v23 =	vld [tilespmem:s5+$0xFFFFFFC0]  }
0x2b6: {  	v24 =	vld [tilespmem:s5+$0x40]  }
0x2b7: {  	v25 =	vld [tilespmem:s5+$0xFFFFFFA0]  }
0x2b8: {  	v26 =	vld [tilespmem:s5+$0xFFFFFF80]  }
0x2b9: {  	v27 =	vld [tilespmem:s5+$0x0]  }
0x2ba: {  	v28 =	vld [tilespmem:s5+$0xFFFFFF90]  }
0x2bb: {  	v29 =	vld [tilespmem:s5+$0x10]  }
0x2bc: {  	v30 =	vld [tilespmem:s5+$0x20]  }
0x2bd: {  	v31 =	vld [tilespmem:s5+$0xFFFFFFB0]  }
0x2be: {  	v32 =	vld [tilespmem:s5+$0x30]  }
0x2bf: {  	v25 =	vld.idx.msk [tilespmem:v25+s6+$0x0], $0xffff  }
0x2c0: {  	v26 =	vld.idx.msk [tilespmem:v26+s6+$0x0], $0xffff  }
0x2c1: {  	v27 =	vld.idx.msk [tilespmem:v27+s6+$0x0], $0xffff  }
0x2c2: {  	v28 =	vld.idx.msk [tilespmem:v28+s6+$0x0], $0xffff  }
0x2c3: {  	v29 =	vld.idx.msk [tilespmem:v29+s6+$0x0], $0xffff  }
0x2c4: {  	v30 =	vld.idx.msk [tilespmem:v30+s6+$0x0], $0xffff  }
0x2c5: {  	v31 =	vld.idx.msk [tilespmem:v31+s6+$0x0], $0xffff  }
0x2c6: {  	v32 =	vld.idx.msk [tilespmem:v32+s6+$0x0], $0xffff  }
0x2c7: {  	v23 =	vld.idx.msk [tilespmem:v23+s6+$0x0], $0xffff;
	v21 =	vadd.f32 v26, v21;
	v22 =	vadd.f32 v27, v22  }
0x2c8: {  	v24 =	vld.idx.msk [tilespmem:v24+s6+$0x0], $0xffff;
	v60 =	vadd.f32 v28, v7  }
0x2c9: {  	v18 =	vadd.f32 v29, v18;
	v7 =	vld.idx.msk [tilespmem:v19+s6+$0x0], $0xffff;
	v21 =	vmul.f32 v21, v21;
	v22 =	vmul.f32 v22, v22  }
0x2ca: {  	v25 =	vadd.f32 v25, v9;
	v15 =	vadd.f32 v30, v15;
	v9 =	vld.idx.msk [tilespmem:v20+s6+$0x0], $0xffff;
	v19 =	vmul.f32 v60, v60  }
0x2cb: {  	v18 =	vmul.f32 v18, v18;
	v61 =	vadd.f32 v21, v6;
	v5 =	vadd.f32 v22, v5;
	v6 =	vld.idx.msk [tilespmem:v16+s6+$0x0], $0xffff  }
0x2cc: {  	v63 =	vadd.f32 v32, v12;
	v62 =	vmul.f32 v25, v25;
	v16 =	vadd.f32 v31, v10;
	v10 =	vld.idx.msk [tilespmem:v17+s6+$0x0], $0xffff  }
0x2cd: {  	v15 =	vmul.f32 v15, v15;
	v17 =	vadd.f32 v19, v61;
	v18 =	vadd.f32 v18, v5;
	v5 =	vld.idx.msk [tilespmem:v13+s6+$0x0], $0xffff  }
0x2ce: {  	v12 =	vmul.f32 v16, v16;
	v16 =	vadd.f32 v23, v8;
	v13 =	vadd.f32 v24, v11;
	v8 =	vld.idx.msk [tilespmem:v14+s6+$0x0], $0xffff  }
0x2cf: {  	s3 =	simm.s32 $0x0;
	v11 =	vld [tilespmem:s16+$0x70];
	s16 =	sadd.s32 $0x100, s16;
	v14 =	vadd.f32 v62, v17;
	v15 =	vadd.f32 v15, v18;
	v17 =	vmul.f32 v63, v63  }
.LBB2_17:
0x2d0: {  	v18 =	vld [tilespmem:s16+$0xFFFFFFF0];
	v16 =	vmul.f32 v16, v16;
	v3 =	vadd.f32 v7, v3;
	v4 =	vadd.f32 v9, v4  }
0x2d1: {  	v13 =	vmul.f32 v13, v13;
	v7 =	vld [tilespmem:s16+$0xFFFFFFE0];
	v9 =	vadd.f32 v12, v14;
	v12 =	vadd.f32 v17, v15  }
0x2d2: {  	v2 =	vadd.f32 v6, v2;
	v6 =	vadd.f32 v10, v1;
	v14 =	vmul.f32 v3, v3;
	v1 =	vld [tilespmem:s16+$0x60]  }
0x2d3: {  	v3 =	vld [tilespmem:s16+$0xFFFFFFD0];
	v9 =	vadd.f32 v16, v9;
	v10 =	vadd.f32 v13, v12;
	v12 =	vmul.f32 v4, v4  }
0x2d4: {  	v15 =	vadd.f32 v5, v0;
	v13 =	vmul.f32 v2, v2;
	v4 =	vld [tilespmem:s16+$0x50];
	v5 =	vadd.f32 v8, v11  }
0x2d5: {  	v6 =	vmul.f32 v6, v6;
	v8 =	vld [tilespmem:s16+$0xFFFFFFC0];
	v9 =	vadd.f32 v14, v9;
	v10 =	vadd.f32 v12, v10;
	v0 =	vmovc v18  }
0x2d6: {  	v12 =	vmul.f32 v15, v15;
	v11 =	vld [tilespmem:s16+$0x40];
	v2 =	vmov v7  }
0x2d7: {  	v5 =	vmul.f32 v5, v5;
	v14 =	vld [tilespmem:s16+$0xFFFFFFB0];
	v7 =	vadd.f32 v13, v9;
	v6 =	vadd.f32 v6, v10  }
0x2d8: {  	s5 =	sadd.s32 $0x200, s5;
	v10 =	vld [tilespmem:s16+$0x30]  }
0x2d9: {  	v13 =	vld [tilespmem:s5+$0xFFFFFFF0];
	v12 =	vadd.f32 v12, v7;
	v5 =	vadd.f32 v5, v6  }
0x2da: {  	v15 =	vld [tilespmem:s5+$0x70]  }
0x2db: {  	v6 =	vld [tilespmem:s16+$0xFFFFFFA0]  }
0x2dc: {  	v9 =	vld [tilespmem:s16+$0x20]  }
0x2dd: {  	v16 =	vld [tilespmem:s5+$0xFFFFFFE0]  }
0x2de: {  	v17 =	vld [tilespmem:s5+$0x60]  }
0x2df: {  	v7 =	vld [tilespmem:s16+$0xFFFFFF90]  }
0x2e0: {  	v18 =	vld [tilespmem:s16+$0x10]  }
0x2e1: {  	v19 =	vld [tilespmem:s5+$0xFFFFFFD0]  }
0x2e2: {  	v20 =	vld [tilespmem:s5+$0x50]  }
0x2e3: {  	v21 =	vld [tilespmem:s16+$0xFFFFFF80]  }
0x2e4: {  	v22 =	vld [tilespmem:s16+$0x0]  }
0x2e5: {  	v23 =	vld [tilespmem:s5+$0xFFFFFFC0]  }
0x2e6: {  	v24 =	vld [tilespmem:s5+$0x40]  }
0x2e7: {  	v25 =	vld [tilespmem:s5+$0xFFFFFFA0]  }
0x2e8: {  	v26 =	vld [tilespmem:s5+$0xFFFFFF80]  }
0x2e9: {  	s3 =	sadd.s32 $0x8, s3;
	v27 =	vld [tilespmem:s5+$0x0]  }
0x2ea: {  	p3 =	slt.u32 s3, $0x78;
	v28 =	vld [tilespmem:s5+$0xFFFFFF90]  }
0x2eb: {  	v29 =	vld [tilespmem:s5+$0x10]  }
0x2ec: {  	v30 =	vld [tilespmem:s5+$0x20]  }
0x2ed: {  	v31 =	vld [tilespmem:s5+$0xFFFFFFB0]  }
0x2ee: {  	v32 =	vld [tilespmem:s5+$0x30]  }
0x2ef: {  	v25 =	vld.idx.msk [tilespmem:v25+s6+$0x0], $0xffff  }
0x2f0: {  	v26 =	vld.idx.msk [tilespmem:v26+s6+$0x0], $0xffff  }
0x2f1: {  	v27 =	vld.idx.msk [tilespmem:v27+s6+$0x0], $0xffff  }
0x2f2: {  	v28 =	vld.idx.msk [tilespmem:v28+s6+$0x0], $0xffff  }
0x2f3: {  	v29 =	vld.idx.msk [tilespmem:v29+s6+$0x0], $0xffff  }
0x2f4: {  	v30 =	vld.idx.msk [tilespmem:v30+s6+$0x0], $0xffff  }
0x2f5: {  	v31 =	vld.idx.msk [tilespmem:v31+s6+$0x0], $0xffff  }
0x2f6: {  	v32 =	vld.idx.msk [tilespmem:v32+s6+$0x0], $0xffff  }
0x2f7: {  	v21 =	vadd.f32 v26, v21;
	v22 =	vadd.f32 v27, v22;
	v23 =	vld.idx.msk [tilespmem:v23+s6+$0x0], $0xffff  }
0x2f8: {  	v26 =	vadd.f32 v28, v7;
	v24 =	vld.idx.msk [tilespmem:v24+s6+$0x0], $0xffff  }
0x2f9: {  	v21 =	vmul.f32 v21, v21;
	v22 =	vmul.f32 v22, v22;
	v18 =	vadd.f32 v29, v18;
	v7 =	vld.idx.msk [tilespmem:v19+s6+$0x0], $0xffff  }
0x2fa: {  	v25 =	vadd.f32 v25, v6;
	v19 =	vmul.f32 v26, v26;
	v26 =	vadd.f32 v30, v9;
	v9 =	vld.idx.msk [tilespmem:v20+s6+$0x0], $0xffff  }
.Ltmp10:
0x2fb: {  	v12 =	vadd.f32 v21, v12;
	v5 =	vadd.f32 v22, v5;
	v18 =	vmul.f32 v18, v18;
	v6 =	vld.idx.msk [tilespmem:v16+s6+$0x0], $0xffff;
	(pc) =	sbr.rel @p3 .LBB2_17-.Ltmp10, $4  }
0x2fc: {  	v20 =	vmul.f32 v25, v25;
	v14 =	vadd.f32 v31, v14;
	v21 =	vadd.f32 v32, v10;
	v10 =	vld.idx.msk [tilespmem:v17+s6+$0x0], $0xffff  }
0x2fd: {  	v17 =	vadd.f32 v19, v12;
	v18 =	vadd.f32 v18, v5;
	v19 =	vmul.f32 v26, v26;
	v5 =	vld.idx.msk [tilespmem:v13+s6+$0x0], $0xffff  }
0x2fe: {  	v12 =	vmul.f32 v14, v14;
	v16 =	vadd.f32 v23, v8;
	v13 =	vadd.f32 v24, v11;
	v8 =	vld.idx.msk [tilespmem:v15+s6+$0x0], $0xffff  }
0x2ff: {  	v14 =	vadd.f32 v20, v17;
	v15 =	vadd.f32 v19, v18;
	v17 =	vmul.f32 v21, v21;
	v11 =	vld [tilespmem:s16+$0x70];
	s16 =	sadd.s32 $0x100, s16  }
0x300: {  	p3 =	sgt.u32 s0, $0x5  }
0x301: {  	p4 =	por p2, p3  }
0x302: {  	s3 =	sshll.u32 @!p4 s0, $0xC  }
0x303: {  	p2 =	por !p2, p3;
	s0 =	sshll.u32 @!p3 s0, $0x9;
	s3 =	sand.u32 @!p4 $0x1000, s3  }
0x304: {  	v16 =	vmul.f32 v16, v16;
	v3 =	vadd.f32 v7, v3;
	v4 =	vadd.f32 v9, v4;
	s4 =	simm.s32 @!p4 $0x0;
	s0 =	sadd.s32 @!p3 s25, s0;
	s3 =	sor.u32 @!p4 $0x18700, s3  }
0x305: {  	v63 =	vmul.f32 v13, v13;
	v7 =	vadd.f32 v12, v14;
	v62 =	vadd.f32 v17, v15;
	[tilespmem:s3], [sflag:$0x3] =	stream.linear.gather @!p4 [hbm4b:s0+s4], $0x1000, $0x38;
	[tilespmem:$0x1E800] =	vst v63  }
0x306: {  	v2 =	vadd.f32 v6, v2;
	v1 =	vadd.f32 v10, v1;
	v3 =	vmul.f32 v3, v3;
	s3 =	simm.s32 @!p2 $0x0;
	s4 =	simm.s32 @!p2 $0x18700  }
0x307: {  	v4 =	vmul.f32 v4, v4;
	v6 =	vadd.f32 v16, v7;
	v7 =	vadd.f32 v63, v62;
	[tilespmem:s4], [sflag:$0x2] =	stream.linear.gather @!p2 [hbm4b:s0+s3], $0x1000, $0x38;
	[tilespmem:$0x1E800] =	vst v63  }
0x308: {  	v2 =	vmul.f32 v2, v2;
	v0 =	vadd.f32 v5, v0;
	v5 =	vadd.f32 v8, v11;
	p2 =	sne.s32 s30, $0x8  }
.Ltmp11:
0x309: {  	v1 =	vmul.f32 v1, v1;
	v3 =	vadd.f32 v3, v6;
	v4 =	vadd.f32 v4, v7;
	(pc) =	sbr.rel @p2 .LBB2_12-.Ltmp11, $3  }
0x30a: {  	v0 =	vmul.f32 v0, v0  }
0x30b: {  	v2 =	vadd.f32 v2, v3;
	v1 =	vadd.f32 v1, v4;
	v3 =	vmul.f32 v5, v5;
	_ =	sdelay $0x1  }
0x30c: {  	p1 =	por !p1, !p1;
	s0 =	smov.u32 s30;
	v6 =	vadd.f32 v0, v2;
	v5 =	vadd.f32 v3, v1  }
0x30d: {  	s0 =	sshll.u32 s29, $0xA  }
0x30e: {  	s0 =	sor.u32 s11, s0  }
0x30f: {  	s0 =	sshrl.u32 s0, $0x3  }
0x310: {  	s4 =	simm.s32 $0x1E700;
	[tilespmem:$0x1E700] =	vst v6;
	s3 =	sadd.s32 s8, s0  }
0x311: {  	[hbm4b:s3+s6] =	stream.linear.scatter [tilespmem:s4], [sflag:$0x4], $0x80, $0x38;
	[tilespmem:$0x1E800] =	vst v63  }
0x312: {  	_ =	swait.ge [sflag:s23], $0x80  }
0x313: {  	[sflag:s23] =	ssyncset.done $0x0  }
0x314: {  	s0 =	sor.u32 $0x400, s0;
	[sflag:s23] =	ssyncadd.s32 $0xFFFFFF80  }
.Ltmp12:
0x315: {  	s31 =	simm.s32 $0x1E780;
	s0 =	sadd.s32 s8, s0;
	[tilespmem:$0x1E780] =	vst v5;
	(pc) =	sbr.rel @p0 .LBB2_2-.Ltmp12, $4  }
0x316: {  	[hbm4b:s0+s6] =	stream.linear.scatter [tilespmem:s31], [sflag:$0x4], $0x80, $0x38;
	[tilespmem:$0x1E800] =	vst v63  }
0x317: {  	_ =	swait.ge [sflag:s23], $0x80  }
0x318: {  	[sflag:s23] =	ssyncset.done $0x0  }
0x319: {  	p1 =	por $0x0, $0x0;
	s0 =	simm.s32 $0x20;
	[sflag:s23] =	ssyncadd.s32 $0xFFFFFF80  }
0x31a: {  	s3 =	sld [smem:$0x7D6];
	_ =	sdelay $0x2  }
0x31b: {  	s0 =	rddreg [dreg:$0xa];
	s3 =	sadd.s32 $0x1, s3  }
0x31c: {  	p0 =	sne.s32 s3, s0  }
.Ltmp13:
0x31d: {  	_ = 	snop;
	(pc) =	sbr.rel @p0 .LBB2_1-.Ltmp13, $1  }
0x31e: {  	_ =	sdelay $0x3  }
0x31f: {  	_ =	sfence.sel $0x180000  }
0x320: {  	[bflag:$0x0] =	sbarrier.arrive $0xFFFF  }
0x321: {  	_ =	strace $0x90000047  }
0x322: {  	s0 =	stileid.u32;
	[bflag:$0x2] =	sbarrier.arrive $0xFFFF  }
0x323: {  	p0 =	sne.s32 s0, $0x0;
	s0 =	rddreg [dreg:$0x5]  }
0x324: {  	s0 =	sadd.s32 @!p0 $0x100000, s0  }
0x325: {  	[sflag:s0] =	ssyncadd.tile.s32 @!p0 $0x1;
	_ =	shalt  }
.Lfunc_end2:
_tile_overlayer_lowered:
.L_overlay_start_2:
0x326: {  	(tag) =	ssettag $0x2  }
0x327: {  	s0 =	rddreg [dreg:$0x0];
	s2 =	stileid.u32  }
0x328: {  	s1 =	rddreg [dreg:$0x1];
	p0 =	sne.s32 s2, $0x0  }
0x329: {  	s3 =	rddreg [dreg:$0x2];
	[bflag:$0x3] =	sbarrier.arrive $0xFFFF;
	s2 =	simm.s32 @!p0 $0x1C04  }
0x32a: {  	[timem:s3], [sflag:s2] =	dma.local @!p0 [hbm:s0], s1  }
0x32b: {  	s0 =	simm.s32 @!p0 $0x4  }
0x32c: {  	_ =	swait.ge @!p0 [sflag:s0], s1  }
0x32d: {  	s1 =	ssub.s32 @!p0 $0x0, s1;
	[sflag:s0] =	ssyncset.done @!p0 $0x0  }
0x32e: {  	[sflag:s0] =	ssyncadd.s32 @!p0 s1  }
0x32f: {  	[bflag:$0x3] =	sbarrier.arrive $0xFFFF  }
0x330: {  	_ =	shalt  }

</sc_bundles>
